<compile_context>
chip_gen: v7x
topology: tpu7x:2x2x1
jax: 0.10.2.dev20260603
libtpu: 0.0.44.dev20260713+nightly
codegen_flags: <defaults>
</compile_context>

<pallas_src>
import jax
import jax.numpy as jnp
from jax import lax
from jax.experimental import pallas as pl
from jax.experimental.pallas import tpu as pltpu
from jax.experimental.pallas import tpu_sc as plsc

_EMBED_DIM = 1152
_NUM_CORES = 2
_NUM_SUBCORES = 16
_NUM_WORKERS = _NUM_CORES * _NUM_SUBCORES
_T_MAIN = 48
_T_PAD = 56


def _gather_body(idx_hbm, table_hbm, out_hbm, tail_hbm,
                 idx0, idx1, rows0, rows1,
                 isem0, isem1, gsem0, gsem1, ssem0, ssem1, tsem0, tsem1):
    wid = lax.axis_index("s") * _NUM_CORES + lax.axis_index("c")
    n_b = idx_hbm.shape[0] // _NUM_WORKERS
    base = wid * n_b
    idxs = (idx0, idx1)
    bufs = (rows0, rows1)
    isems = (isem0, isem1)
    gsems = (gsem0, gsem1)
    ssems = (ssem0, ssem1)
    tsems = (tsem0, tsem1)

    def start_gather(slot):
        pltpu.async_copy(table_hbm.at[idxs[slot]], bufs[slot], gsems[slot])

    def wait_gather(slot):
        pltpu.make_async_copy(
            table_hbm.at[idxs[slot]], bufs[slot], gsems[slot]).wait()

    def start_stores(r, slot):
        pltpu.async_copy(
            bufs[slot].at[pl.ds(0, _T_MAIN)],
            out_hbm.at[base + r, pl.ds(0, _T_MAIN)], ssems[slot])
        pltpu.async_copy(
            bufs[slot].at[pl.ds(_T_MAIN, 8)],
            tail_hbm.at[base + r], tsems[slot])

    def wait_stores(r, slot):
        pltpu.make_async_copy(
            bufs[slot].at[pl.ds(0, _T_MAIN)],
            out_hbm.at[base + r, pl.ds(0, _T_MAIN)], ssems[slot]).wait()
        pltpu.make_async_copy(
            bufs[slot].at[pl.ds(_T_MAIN, 8)],
            tail_hbm.at[base + r], tsems[slot]).wait()

    pltpu.async_copy(idx_hbm.at[base], idx0, isem0)
    pltpu.async_copy(idx_hbm.at[base + 1], idx1, isem1)
    pltpu.make_async_copy(idx_hbm.at[base], idx0, isem0).wait()
    start_gather(0)

    def body(i, carry):
        for s in range(2):
            g = 2 * i + s
            ns = 1 - s
            wait_gather(s)

            @pl.when(g + 2 < n_b)
            def _():
                pltpu.async_copy(idx_hbm.at[base + g + 2], idxs[s], isems[s])

            start_stores(g, s)

            @pl.when(g > 0)
            def _():
                wait_stores(g - 1, ns)

            @pl.when(g + 1 < n_b)
            def _():
                pltpu.make_async_copy(
                    idx_hbm.at[base + g + 1], idxs[ns], isems[ns]).wait()
                start_gather(ns)
        return carry

    lax.fori_loop(0, n_b // 2, body, 0)
    wait_stores(n_b - 1, 1)


@jax.jit
def kernel(input, weight):
    b, t = input.shape
    n_pad = _T_PAD - t
    pad_idx = (jnp.arange(b, dtype=jnp.int32)[:, None] * n_pad
               + jnp.arange(n_pad, dtype=jnp.int32)[None, :]) % weight.shape[0]
    idx = jnp.concatenate([input.astype(jnp.int32), pad_idx], axis=1)
    mesh = plsc.VectorSubcoreMesh(core_axis_name="c", subcore_axis_name="s")
    out_main, out_tail = pl.kernel(
        _gather_body,
        out_type=(
            jax.ShapeDtypeStruct((b, t, _EMBED_DIM), jnp.float32),
            jax.ShapeDtypeStruct((b, 8, _EMBED_DIM), jnp.float32),
        ),
        mesh=mesh,
        scratch_types=[
            pltpu.VMEM((_T_PAD,), jnp.int32),
            pltpu.VMEM((_T_PAD,), jnp.int32),
            pltpu.VMEM((_T_PAD, _EMBED_DIM), jnp.float32),
            pltpu.VMEM((_T_PAD, _EMBED_DIM), jnp.float32),
            pltpu.SemaphoreType.DMA,
            pltpu.SemaphoreType.DMA,
            pltpu.SemaphoreType.DMA,
            pltpu.SemaphoreType.DMA,
            pltpu.SemaphoreType.DMA,
            pltpu.SemaphoreType.DMA,
            pltpu.SemaphoreType.DMA,
            pltpu.SemaphoreType.DMA,
        ],
    )(idx, weight)

    return lax.dynamic_update_slice(
        out_main, out_tail[:, :2, :], (0, _T_MAIN, 0))

# --- scband reference (transcript-rebuilt; emitter-appended) ---
"""Pipeline reference for scband-gather-embed-48644799595058 (READ-ONLY COPY).

The authoritative reference and input builder live on the scoring server;
editing this copy changes nothing except your own understanding.
"""

import jax, jax.numpy as jnp
import numpy as np

VOCAB_SIZE = 262144
EMBED_DIM = 1152

def setup_inputs(seed: int = 0) -> dict:
    key = jax.random.key(seed)
    k1, k2 = jax.random.split(key)
    input_idx = jax.random.randint(k1, (4096, 50), 0, VOCAB_SIZE, dtype=jnp.int64 if jax.config.jax_enable_x64 else jnp.int32)
    weight = jax.random.normal(k2, (VOCAB_SIZE, EMBED_DIM), dtype=jnp.float32)
    return {"input": input_idx, "weight": weight}

def reference(input, weight):
    # Faithful translation of: return self.weight[input]
    return jnp.take(weight, input, axis=0)

if __name__ == "__main__":
    import jax
    _d = setup_inputs()
    print(jax.jit(kernel)(*tuple(_d.values())))

</pallas_src>

<mosaic_0001>
#map = affine_map<(d0, d1) -> (0, 0)>
#map1 = affine_map<(d0, d1) -> (0, 0, 0)>
module attributes {stable_mosaic.version = 14 : i64} {
  func.func @_gather_body(%arg0: i32, %arg1: i32, %arg2: memref<4096x56xi32, #tpu.memory_space<hbm>>, %arg3: memref<262144x1152xf32, #tpu.memory_space<hbm>>, %arg4: memref<4096x50x1152xf32, #tpu.memory_space<hbm>>, %arg5: memref<4096x8x1152xf32, #tpu.memory_space<hbm>>, %arg6: memref<56xi32, #tpu.memory_space<vmem>>, %arg7: memref<56xi32, #tpu.memory_space<vmem>>, %arg8: memref<56x1152xf32, #tpu.memory_space<vmem>>, %arg9: memref<56x1152xf32, #tpu.memory_space<vmem>>, %arg10: memref<!tpu.dma_semaphore, #tpu.memory_space<semaphore_mem>>, %arg11: memref<!tpu.dma_semaphore, #tpu.memory_space<semaphore_mem>>, %arg12: memref<!tpu.dma_semaphore, #tpu.memory_space<semaphore_mem>>, %arg13: memref<!tpu.dma_semaphore, #tpu.memory_space<semaphore_mem>>, %arg14: memref<!tpu.dma_semaphore, #tpu.memory_space<semaphore_mem>>, %arg15: memref<!tpu.dma_semaphore, #tpu.memory_space<semaphore_mem>>, %arg16: memref<!tpu.dma_semaphore, #tpu.memory_space<semaphore_mem>>, %arg17: memref<!tpu.dma_semaphore, #tpu.memory_space<semaphore_mem>>) attributes {dimension_semantics = [#tpu.dimension_semantics<core_parallel>, #tpu.dimension_semantics<subcore_parallel>], iteration_bounds = array<i64: 2, 16>, scalar_prefetch = 0 : i64, scratch_operands = 12 : i64, tpu.core_type = #tpu.core_type<sc_vector_subcore>, window_params = [{transform_indices = #map}, {transform_indices = #map}, {transform_indices = #map1}, {transform_indices = #map1}]} {
    %mul3A = arith.constant 2 : i32
    %mul3A_0 = arith.muli %arg1, %mul3A : i32
    %add3A = arith.addi %mul3A_0, %arg0 : i32
    %mul3A_1 = arith.constant 128 : i32
    %mul3A_2 = arith.muli %add3A, %mul3A_1 : i32
    %dma_start3A = arith.constant 0 : i32
    %dma_start3A_3 = tpu.memref_slice %arg2[%mul3A_2, %dma_start3A] : memref<4096x56xi32, #tpu.memory_space<hbm>> -> memref<1x56xi32, #tpu.memory_space<hbm>>
    %dma_start3A_4 = tpu.memref_squeeze %dma_start3A_3 : memref<1x56xi32, #tpu.memory_space<hbm>> -> memref<56xi32, #tpu.memory_space<hbm>>
    %dma_start3A_5 = arith.constant 0 : i32
    %dma_start3A_6 = tpu.memref_slice %arg2[%mul3A_2, %dma_start3A_5] : memref<4096x56xi32, #tpu.memory_space<hbm>> -> memref<1x56xi32, #tpu.memory_space<hbm>>
    %dma_start3A_7 = tpu.memref_squeeze %dma_start3A_6 : memref<1x56xi32, #tpu.memory_space<hbm>> -> memref<56xi32, #tpu.memory_space<hbm>>
    tpu.enqueue_dma source(%dma_start3A_7 : memref<56xi32, #tpu.memory_space<hbm>>) target(%arg6 : memref<56xi32, #tpu.memory_space<vmem>>) target_semaphore(%arg10 : memref<!tpu.dma_semaphore, #tpu.memory_space<semaphore_mem>>)
    %add3A_8 = arith.constant 1 : i32
    %add3A_9 = arith.addi %mul3A_2, %add3A_8 : i32
    %dma_start3A_10 = arith.constant 0 : i32
    %dma_start3A_11 = tpu.memref_slice %arg2[%add3A_9, %dma_start3A_10] : memref<4096x56xi32, #tpu.memory_space<hbm>> -> memref<1x56xi32, #tpu.memory_space<hbm>>
    %dma_start3A_12 = tpu.memref_squeeze %dma_start3A_11 : memref<1x56xi32, #tpu.memory_space<hbm>> -> memref<56xi32, #tpu.memory_space<hbm>>
    %dma_start3A_13 = arith.constant 0 : i32
    %dma_start3A_14 = tpu.memref_slice %arg2[%add3A_9, %dma_start3A_13] : memref<4096x56xi32, #tpu.memory_space<hbm>> -> memref<1x56xi32, #tpu.memory_space<hbm>>
    %dma_start3A_15 = tpu.memref_squeeze %dma_start3A_14 : memref<1x56xi32, #tpu.memory_space<hbm>> -> memref<56xi32, #tpu.memory_space<hbm>>
    tpu.enqueue_dma source(%dma_start3A_15 : memref<56xi32, #tpu.memory_space<hbm>>) target(%arg7 : memref<56xi32, #tpu.memory_space<vmem>>) target_semaphore(%arg11 : memref<!tpu.dma_semaphore, #tpu.memory_space<semaphore_mem>>)
    %dma_wait3A = arith.constant 0 : i32
    %dma_wait3A_16 = tpu.memref_slice %arg2[%mul3A_2, %dma_wait3A] : memref<4096x56xi32, #tpu.memory_space<hbm>> -> memref<1x56xi32, #tpu.memory_space<hbm>>
    %dma_wait3A_17 = tpu.memref_squeeze %dma_wait3A_16 : memref<1x56xi32, #tpu.memory_space<hbm>> -> memref<56xi32, #tpu.memory_space<hbm>>
    %dma_wait3A_18 = arith.constant 0 : i32
    %dma_wait3A_19 = tpu.memref_slice %arg2[%mul3A_2, %dma_wait3A_18] : memref<4096x56xi32, #tpu.memory_space<hbm>> -> memref<1x56xi32, #tpu.memory_space<hbm>>
    %dma_wait3A_20 = tpu.memref_squeeze %dma_wait3A_19 : memref<1x56xi32, #tpu.memory_space<hbm>> -> memref<56xi32, #tpu.memory_space<hbm>>
    tpu.wait_dma2 semaphore(%arg10 : memref<!tpu.dma_semaphore, #tpu.memory_space<semaphore_mem>>) src(%dma_wait3A_20 : memref<56xi32, #tpu.memory_space<hbm>>) dst(%arg6 : memref<56xi32, #tpu.memory_space<vmem>>)
    %dma_start3A_21 = arith.constant 0 : i32
    %dma_start3A_22 = arith.constant 0 : i32
    %dma_start3A_23 = tpu.memref_slice %arg3[%dma_start3A_21, %dma_start3A_22] : memref<262144x1152xf32, #tpu.memory_space<hbm>> -> memref<262144x1152xf32, #tpu.memory_space<hbm>>
    tpu.enqueue_indirect_dma source(%dma_start3A_23 : memref<262144x1152xf32, #tpu.memory_space<hbm>>) target(%arg8 : memref<56x1152xf32, #tpu.memory_space<vmem>>) offsets(%arg6 : memref<56xi32, #tpu.memory_space<vmem>>) semaphore(%arg12 : memref<!tpu.dma_semaphore, #tpu.memory_space<semaphore_mem>>)
    %scan3A = arith.constant 0 : i32
    %scan3A_24 = arith.constant 0 : i32
    %scan3A_25 = arith.constant 64 : i32
    %scan3A_26 = arith.addi %scan3A_24, %scan3A_25 : i32
    %scan3A_27 = arith.constant 1 : i32
    scf.for %scan3A_61 = %scan3A_24 to %scan3A_26 step %scan3A_27  : i32 {
      %mul3A_62 = arith.constant 2 : i32
      %mul3A_63 = arith.muli %mul3A_62, %scan3A_61 : i32
      %add3A_64 = arith.constant 0 : i32
      %add3A_65 = arith.addi %mul3A_63, %add3A_64 : i32
      %dma_wait3A_66 = arith.constant 0 : i32
      %dma_wait3A_67 = arith.constant 0 : i32
      %dma_wait3A_68 = tpu.memref_slice %arg3[%dma_wait3A_66, %dma_wait3A_67] : memref<262144x1152xf32, #tpu.memory_space<hbm>> -> memref<262144x1152xf32, #tpu.memory_space<hbm>>
      tpu.wait_indirect_dma semaphore(%arg12 : memref<!tpu.dma_semaphore, #tpu.memory_space<semaphore_mem>>) src(%dma_wait3A_68 : memref<262144x1152xf32, #tpu.memory_space<hbm>>) dst(%arg8 : memref<56x1152xf32, #tpu.memory_space<vmem>>)
      %add3A_69 = arith.constant 2 : i32
      %add3A_70 = arith.addi %add3A_65, %add3A_69 : i32
      %lt3A = arith.constant 128 : i32
      %lt3A_71 = arith.cmpi slt, %add3A_70, %lt3A : i32
      %convert_element_type3A = arith.extui %lt3A_71 : i1 to i32
      %cond3A = arith.constant 0 : i32
      %cond3A_72 = arith.cmpi ne, %convert_element_type3A, %cond3A : i32
      scf.if %cond3A_72 {
        %add3A_170 = arith.addi %mul3A_2, %add3A_65 : i32
        %add3A_171 = arith.constant 2 : i32
        %add3A_172 = arith.addi %add3A_170, %add3A_171 : i32
        %dma_start3A_173 = arith.constant 0 : i32
        %dma_start3A_174 = tpu.memref_slice %arg2[%add3A_172, %dma_start3A_173] : memref<4096x56xi32, #tpu.memory_space<hbm>> -> memref<1x56xi32, #tpu.memory_space<hbm>>
        %dma_start3A_175 = tpu.memref_squeeze %dma_start3A_174 : memref<1x56xi32, #tpu.memory_space<hbm>> -> memref<56xi32, #tpu.memory_space<hbm>>
        %dma_start3A_176 = arith.constant 0 : i32
        %dma_start3A_177 = tpu.memref_slice %arg2[%add3A_172, %dma_start3A_176] : memref<4096x56xi32, #tpu.memory_space<hbm>> -> memref<1x56xi32, #tpu.memory_space<hbm>>
        %dma_start3A_178 = tpu.memref_squeeze %dma_start3A_177 : memref<1x56xi32, #tpu.memory_space<hbm>> -> memref<56xi32, #tpu.memory_space<hbm>>
        tpu.enqueue_dma source(%dma_start3A_178 : memref<56xi32, #tpu.memory_space<hbm>>) target(%arg6 : memref<56xi32, #tpu.memory_space<vmem>>) target_semaphore(%arg10 : memref<!tpu.dma_semaphore, #tpu.memory_space<semaphore_mem>>)
      } else {
      }
      %add3A_73 = arith.addi %mul3A_2, %add3A_65 : i32
      %dma_start3A_74 = arith.constant 0 : i32
      %dma_start3A_75 = arith.constant 0 : i32
      %dma_start3A_76 = tpu.memref_slice %arg8[%dma_start3A_74, %dma_start3A_75] : memref<56x1152xf32, #tpu.memory_space<vmem>> -> memref<48x1152xf32, #tpu.memory_space<vmem>>
      %dma_start3A_77 = arith.constant 0 : i32
      %dma_start3A_78 = arith.constant 0 : i32
      %dma_start3A_79 = tpu.memref_slice %arg4[%add3A_73, %dma_start3A_77, %dma_start3A_78] : memref<4096x50x1152xf32, #tpu.memory_space<hbm>> -> memref<1x48x1152xf32, #tpu.memory_space<hbm>>
      %dma_start3A_80 = tpu.memref_squeeze %dma_start3A_79 : memref<1x48x1152xf32, #tpu.memory_space<hbm>> -> memref<48x1152xf32, #tpu.memory_space<hbm>>
      %dma_start3A_81 = arith.constant 0 : i32
      %dma_start3A_82 = arith.constant 0 : i32
      %dma_start3A_83 = tpu.memref_slice %arg4[%add3A_73, %dma_start3A_81, %dma_start3A_82] : memref<4096x50x1152xf32, #tpu.memory_space<hbm>> -> memref<1x48x1152xf32, #tpu.memory_space<hbm>>
      %dma_start3A_84 = tpu.memref_squeeze %dma_start3A_83 : memref<1x48x1152xf32, #tpu.memory_space<hbm>> -> memref<48x1152xf32, #tpu.memory_space<hbm>>
      %dma_start3A_85 = arith.constant 0 : i32
      %dma_start3A_86 = arith.constant 0 : i32
      %dma_start3A_87 = tpu.memref_slice %arg8[%dma_start3A_85, %dma_start3A_86] : memref<56x1152xf32, #tpu.memory_space<vmem>> -> memref<48x1152xf32, #tpu.memory_space<vmem>>
      tpu.enqueue_dma source(%dma_start3A_87 : memref<48x1152xf32, #tpu.memory_space<vmem>>) target(%dma_start3A_84 : memref<48x1152xf32, #tpu.memory_space<hbm>>) target_semaphore(%arg14 : memref<!tpu.dma_semaphore, #tpu.memory_space<semaphore_mem>>)
      %add3A_88 = arith.addi %mul3A_2, %add3A_65 : i32
      %dma_start3A_89 = arith.constant 48 : i32
      %dma_start3A_90 = arith.constant 0 : i32
      %dma_start3A_91 = tpu.memref_slice %arg8[%dma_start3A_89, %dma_start3A_90] : memref<56x1152xf32, #tpu.memory_space<vmem>> -> memref<8x1152xf32, #tpu.memory_space<vmem>>
      %dma_start3A_92 = arith.constant 0 : i32
      %dma_start3A_93 = arith.constant 0 : i32
      %dma_start3A_94 = tpu.memref_slice %arg5[%add3A_88, %dma_start3A_92, %dma_start3A_93] : memref<4096x8x1152xf32, #tpu.memory_space<hbm>> -> memref<1x8x1152xf32, #tpu.memory_space<hbm>>
      %dma_start3A_95 = tpu.memref_squeeze %dma_start3A_94 : memref<1x8x1152xf32, #tpu.memory_space<hbm>> -> memref<8x1152xf32, #tpu.memory_space<hbm>>
      %dma_start3A_96 = arith.constant 0 : i32
      %dma_start3A_97 = arith.constant 0 : i32
      %dma_start3A_98 = tpu.memref_slice %arg5[%add3A_88, %dma_start3A_96, %dma_start3A_97] : memref<4096x8x1152xf32, #tpu.memory_space<hbm>> -> memref<1x8x1152xf32, #tpu.memory_space<hbm>>
      %dma_start3A_99 = tpu.memref_squeeze %dma_start3A_98 : memref<1x8x1152xf32, #tpu.memory_space<hbm>> -> memref<8x1152xf32, #tpu.memory_space<hbm>>
      %dma_start3A_100 = arith.constant 48 : i32
      %dma_start3A_101 = arith.constant 0 : i32
      %dma_start3A_102 = tpu.memref_slice %arg8[%dma_start3A_100, %dma_start3A_101] : memref<56x1152xf32, #tpu.memory_space<vmem>> -> memref<8x1152xf32, #tpu.memory_space<vmem>>
      tpu.enqueue_dma source(%dma_start3A_102 : memref<8x1152xf32, #tpu.memory_space<vmem>>) target(%dma_start3A_99 : memref<8x1152xf32, #tpu.memory_space<hbm>>) target_semaphore(%arg16 : memref<!tpu.dma_semaphore, #tpu.memory_space<semaphore_mem>>)
      %gt3A = arith.constant 0 : i32
      %gt3A_103 = arith.cmpi sgt, %add3A_65, %gt3A : i32
      %convert_element_type3A_104 = arith.extui %gt3A_103 : i1 to i32
      %cond3A_105 = arith.constant 0 : i32
      %cond3A_106 = arith.cmpi ne, %convert_element_type3A_104, %cond3A_105 : i32
      scf.if %cond3A_106 {
        %sub3A = arith.constant 1 : i32
        %sub3A_170 = arith.subi %add3A_65, %sub3A : i32
        %add3A_171 = arith.addi %mul3A_2, %sub3A_170 : i32
        %dma_wait3A_172 = arith.constant 0 : i32
        %dma_wait3A_173 = arith.constant 0 : i32
        %dma_wait3A_174 = tpu.memref_slice %arg9[%dma_wait3A_172, %dma_wait3A_173] : memref<56x1152xf32, #tpu.memory_space<vmem>> -> memref<48x1152xf32, #tpu.memory_space<vmem>>
        %dma_wait3A_175 = arith.constant 0 : i32
        %dma_wait3A_176 = arith.constant 0 : i32
        %dma_wait3A_177 = tpu.memref_slice %arg4[%add3A_171, %dma_wait3A_175, %dma_wait3A_176] : memref<4096x50x1152xf32, #tpu.memory_space<hbm>> -> memref<1x48x1152xf32, #tpu.memory_space<hbm>>
        %dma_wait3A_178 = tpu.memref_squeeze %dma_wait3A_177 : memref<1x48x1152xf32, #tpu.memory_space<hbm>> -> memref<48x1152xf32, #tpu.memory_space<hbm>>
        %dma_wait3A_179 = arith.constant 0 : i32
        %dma_wait3A_180 = arith.constant 0 : i32
        %dma_wait3A_181 = tpu.memref_slice %arg4[%add3A_171, %dma_wait3A_179, %dma_wait3A_180] : memref<4096x50x1152xf32, #tpu.memory_space<hbm>> -> memref<1x48x1152xf32, #tpu.memory_space<hbm>>
        %dma_wait3A_182 = tpu.memref_squeeze %dma_wait3A_181 : memref<1x48x1152xf32, #tpu.memory_space<hbm>> -> memref<48x1152xf32, #tpu.memory_space<hbm>>
        %dma_wait3A_183 = arith.constant 0 : i32
        %dma_wait3A_184 = arith.constant 0 : i32
        %dma_wait3A_185 = tpu.memref_slice %arg9[%dma_wait3A_183, %dma_wait3A_184] : memref<56x1152xf32, #tpu.memory_space<vmem>> -> memref<48x1152xf32, #tpu.memory_space<vmem>>
        tpu.wait_dma2 semaphore(%arg15 : memref<!tpu.dma_semaphore, #tpu.memory_space<semaphore_mem>>) src(%dma_wait3A_185 : memref<48x1152xf32, #tpu.memory_space<vmem>>) dst(%dma_wait3A_182 : memref<48x1152xf32, #tpu.memory_space<hbm>>)
        %add3A_186 = arith.addi %mul3A_2, %sub3A_170 : i32
        %dma_wait3A_187 = arith.constant 48 : i32
        %dma_wait3A_188 = arith.constant 0 : i32
        %dma_wait3A_189 = tpu.memref_slice %arg9[%dma_wait3A_187, %dma_wait3A_188] : memref<56x1152xf32, #tpu.memory_space<vmem>> -> memref<8x1152xf32, #tpu.memory_space<vmem>>
        %dma_wait3A_190 = arith.constant 0 : i32
        %dma_wait3A_191 = arith.constant 0 : i32
        %dma_wait3A_192 = tpu.memref_slice %arg5[%add3A_186, %dma_wait3A_190, %dma_wait3A_191] : memref<4096x8x1152xf32, #tpu.memory_space<hbm>> -> memref<1x8x1152xf32, #tpu.memory_space<hbm>>
        %dma_wait3A_193 = tpu.memref_squeeze %dma_wait3A_192 : memref<1x8x1152xf32, #tpu.memory_space<hbm>> -> memref<8x1152xf32, #tpu.memory_space<hbm>>
        %dma_wait3A_194 = arith.constant 0 : i32
        %dma_wait3A_195 = arith.constant 0 : i32
        %dma_wait3A_196 = tpu.memref_slice %arg5[%add3A_186, %dma_wait3A_194, %dma_wait3A_195] : memref<4096x8x1152xf32, #tpu.memory_space<hbm>> -> memref<1x8x1152xf32, #tpu.memory_space<hbm>>
        %dma_wait3A_197 = tpu.memref_squeeze %dma_wait3A_196 : memref<1x8x1152xf32, #tpu.memory_space<hbm>> -> memref<8x1152xf32, #tpu.memory_space<hbm>>
        %dma_wait3A_198 = arith.constant 48 : i32
        %dma_wait3A_199 = arith.constant 0 : i32
        %dma_wait3A_200 = tpu.memref_slice %arg9[%dma_wait3A_198, %dma_wait3A_199] : memref<56x1152xf32, #tpu.memory_space<vmem>> -> memref<8x1152xf32, #tpu.memory_space<vmem>>
        tpu.wait_dma2 semaphore(%arg17 : memref<!tpu.dma_semaphore, #tpu.memory_space<semaphore_mem>>) src(%dma_wait3A_200 : memref<8x1152xf32, #tpu.memory_space<vmem>>) dst(%dma_wait3A_197 : memref<8x1152xf32, #tpu.memory_space<hbm>>)
      } else {
      }
      %add3A_107 = arith.constant 1 : i32
      %add3A_108 = arith.addi %add3A_65, %add3A_107 : i32
      %lt3A_109 = arith.constant 128 : i32
      %lt3A_110 = arith.cmpi slt, %add3A_108, %lt3A_109 : i32
      %convert_element_type3A_111 = arith.extui %lt3A_110 : i1 to i32
      %cond3A_112 = arith.constant 0 : i32
      %cond3A_113 = arith.cmpi ne, %convert_element_type3A_111, %cond3A_112 : i32
      scf.if %cond3A_113 {
        %add3A_170 = arith.addi %mul3A_2, %add3A_65 : i32
        %add3A_171 = arith.constant 1 : i32
        %add3A_172 = arith.addi %add3A_170, %add3A_171 : i32
        %dma_wait3A_173 = arith.constant 0 : i32
        %dma_wait3A_174 = tpu.memref_slice %arg2[%add3A_172, %dma_wait3A_173] : memref<4096x56xi32, #tpu.memory_space<hbm>> -> memref<1x56xi32, #tpu.memory_space<hbm>>
        %dma_wait3A_175 = tpu.memref_squeeze %dma_wait3A_174 : memref<1x56xi32, #tpu.memory_space<hbm>> -> memref<56xi32, #tpu.memory_space<hbm>>
        %dma_wait3A_176 = arith.constant 0 : i32
        %dma_wait3A_177 = tpu.memref_slice %arg2[%add3A_172, %dma_wait3A_176] : memref<4096x56xi32, #tpu.memory_space<hbm>> -> memref<1x56xi32, #tpu.memory_space<hbm>>
        %dma_wait3A_178 = tpu.memref_squeeze %dma_wait3A_177 : memref<1x56xi32, #tpu.memory_space<hbm>> -> memref<56xi32, #tpu.memory_space<hbm>>
        tpu.wait_dma2 semaphore(%arg11 : memref<!tpu.dma_semaphore, #tpu.memory_space<semaphore_mem>>) src(%dma_wait3A_178 : memref<56xi32, #tpu.memory_space<hbm>>) dst(%arg7 : memref<56xi32, #tpu.memory_space<vmem>>)
        %dma_start3A_179 = arith.constant 0 : i32
        %dma_start3A_180 = arith.constant 0 : i32
        %dma_start3A_181 = tpu.memref_slice %arg3[%dma_start3A_179, %dma_start3A_180] : memref<262144x1152xf32, #tpu.memory_space<hbm>> -> memref<262144x1152xf32, #tpu.memory_space<hbm>>
        tpu.enqueue_indirect_dma source(%dma_start3A_181 : memref<262144x1152xf32, #tpu.memory_space<hbm>>) target(%arg9 : memref<56x1152xf32, #tpu.memory_space<vmem>>) offsets(%arg7 : memref<56xi32, #tpu.memory_space<vmem>>) semaphore(%arg13 : memref<!tpu.dma_semaphore, #tpu.memory_space<semaphore_mem>>)
      } else {
      }
      %mul3A_114 = arith.constant 2 : i32
      %mul3A_115 = arith.muli %mul3A_114, %scan3A_61 : i32
      %add3A_116 = arith.constant 1 : i32
      %add3A_117 = arith.addi %mul3A_115, %add3A_116 : i32
      %dma_wait3A_118 = arith.constant 0 : i32
      %dma_wait3A_119 = arith.constant 0 : i32
      %dma_wait3A_120 = tpu.memref_slice %arg3[%dma_wait3A_118, %dma_wait3A_119] : memref<262144x1152xf32, #tpu.memory_space<hbm>> -> memref<262144x1152xf32, #tpu.memory_space<hbm>>
      tpu.wait_indirect_dma semaphore(%arg13 : memref<!tpu.dma_semaphore, #tpu.memory_space<semaphore_mem>>) src(%dma_wait3A_120 : memref<262144x1152xf32, #tpu.memory_space<hbm>>) dst(%arg9 : memref<56x1152xf32, #tpu.memory_space<vmem>>)
      %add3A_121 = arith.constant 2 : i32
      %add3A_122 = arith.addi %add3A_117, %add3A_121 : i32
      %lt3A_123 = arith.constant 128 : i32
      %lt3A_124 = arith.cmpi slt, %add3A_122, %lt3A_123 : i32
      %convert_element_type3A_125 = arith.extui %lt3A_124 : i1 to i32
      %cond3A_126 = arith.constant 0 : i32
      %cond3A_127 = arith.cmpi ne, %convert_element_type3A_125, %cond3A_126 : i32
      scf.if %cond3A_127 {
        %add3A_170 = arith.addi %mul3A_2, %add3A_117 : i32
        %add3A_171 = arith.constant 2 : i32
        %add3A_172 = arith.addi %add3A_170, %add3A_171 : i32
        %dma_start3A_173 = arith.constant 0 : i32
        %dma_start3A_174 = tpu.memref_slice %arg2[%add3A_172, %dma_start3A_173] : memref<4096x56xi32, #tpu.memory_space<hbm>> -> memref<1x56xi32, #tpu.memory_space<hbm>>
        %dma_start3A_175 = tpu.memref_squeeze %dma_start3A_174 : memref<1x56xi32, #tpu.memory_space<hbm>> -> memref<56xi32, #tpu.memory_space<hbm>>
        %dma_start3A_176 = arith.constant 0 : i32
        %dma_start3A_177 = tpu.memref_slice %arg2[%add3A_172, %dma_start3A_176] : memref<4096x56xi32, #tpu.memory_space<hbm>> -> memref<1x56xi32, #tpu.memory_space<hbm>>
        %dma_start3A_178 = tpu.memref_squeeze %dma_start3A_177 : memref<1x56xi32, #tpu.memory_space<hbm>> -> memref<56xi32, #tpu.memory_space<hbm>>
        tpu.enqueue_dma source(%dma_start3A_178 : memref<56xi32, #tpu.memory_space<hbm>>) target(%arg7 : memref<56xi32, #tpu.memory_space<vmem>>) target_semaphore(%arg11 : memref<!tpu.dma_semaphore, #tpu.memory_space<semaphore_mem>>)
      } else {
      }
      %add3A_128 = arith.addi %mul3A_2, %add3A_117 : i32
      %dma_start3A_129 = arith.constant 0 : i32
      %dma_start3A_130 = arith.constant 0 : i32
      %dma_start3A_131 = tpu.memref_slice %arg9[%dma_start3A_129, %dma_start3A_130] : memref<56x1152xf32, #tpu.memory_space<vmem>> -> memref<48x1152xf32, #tpu.memory_space<vmem>>
      %dma_start3A_132 = arith.constant 0 : i32
      %dma_start3A_133 = arith.constant 0 : i32
      %dma_start3A_134 = tpu.memref_slice %arg4[%add3A_128, %dma_start3A_132, %dma_start3A_133] : memref<4096x50x1152xf32, #tpu.memory_space<hbm>> -> memref<1x48x1152xf32, #tpu.memory_space<hbm>>
      %dma_start3A_135 = tpu.memref_squeeze %dma_start3A_134 : memref<1x48x1152xf32, #tpu.memory_space<hbm>> -> memref<48x1152xf32, #tpu.memory_space<hbm>>
      %dma_start3A_136 = arith.constant 0 : i32
      %dma_start3A_137 = arith.constant 0 : i32
      %dma_start3A_138 = tpu.memref_slice %arg4[%add3A_128, %dma_start3A_136, %dma_start3A_137] : memref<4096x50x1152xf32, #tpu.memory_space<hbm>> -> memref<1x48x1152xf32, #tpu.memory_space<hbm>>
      %dma_start3A_139 = tpu.memref_squeeze %dma_start3A_138 : memref<1x48x1152xf32, #tpu.memory_space<hbm>> -> memref<48x1152xf32, #tpu.memory_space<hbm>>
      %dma_start3A_140 = arith.constant 0 : i32
      %dma_start3A_141 = arith.constant 0 : i32
      %dma_start3A_142 = tpu.memref_slice %arg9[%dma_start3A_140, %dma_start3A_141] : memref<56x1152xf32, #tpu.memory_space<vmem>> -> memref<48x1152xf32, #tpu.memory_space<vmem>>
      tpu.enqueue_dma source(%dma_start3A_142 : memref<48x1152xf32, #tpu.memory_space<vmem>>) target(%dma_start3A_139 : memref<48x1152xf32, #tpu.memory_space<hbm>>) target_semaphore(%arg15 : memref<!tpu.dma_semaphore, #tpu.memory_space<semaphore_mem>>)
      %add3A_143 = arith.addi %mul3A_2, %add3A_117 : i32
      %dma_start3A_144 = arith.constant 48 : i32
      %dma_start3A_145 = arith.constant 0 : i32
      %dma_start3A_146 = tpu.memref_slice %arg9[%dma_start3A_144, %dma_start3A_145] : memref<56x1152xf32, #tpu.memory_space<vmem>> -> memref<8x1152xf32, #tpu.memory_space<vmem>>
      %dma_start3A_147 = arith.constant 0 : i32
      %dma_start3A_148 = arith.constant 0 : i32
      %dma_start3A_149 = tpu.memref_slice %arg5[%add3A_143, %dma_start3A_147, %dma_start3A_148] : memref<4096x8x1152xf32, #tpu.memory_space<hbm>> -> memref<1x8x1152xf32, #tpu.memory_space<hbm>>
      %dma_start3A_150 = tpu.memref_squeeze %dma_start3A_149 : memref<1x8x1152xf32, #tpu.memory_space<hbm>> -> memref<8x1152xf32, #tpu.memory_space<hbm>>
      %dma_start3A_151 = arith.constant 0 : i32
      %dma_start3A_152 = arith.constant 0 : i32
      %dma_start3A_153 = tpu.memref_slice %arg5[%add3A_143, %dma_start3A_151, %dma_start3A_152] : memref<4096x8x1152xf32, #tpu.memory_space<hbm>> -> memref<1x8x1152xf32, #tpu.memory_space<hbm>>
      %dma_start3A_154 = tpu.memref_squeeze %dma_start3A_153 : memref<1x8x1152xf32, #tpu.memory_space<hbm>> -> memref<8x1152xf32, #tpu.memory_space<hbm>>
      %dma_start3A_155 = arith.constant 48 : i32
      %dma_start3A_156 = arith.constant 0 : i32
      %dma_start3A_157 = tpu.memref_slice %arg9[%dma_start3A_155, %dma_start3A_156] : memref<56x1152xf32, #tpu.memory_space<vmem>> -> memref<8x1152xf32, #tpu.memory_space<vmem>>
      tpu.enqueue_dma source(%dma_start3A_157 : memref<8x1152xf32, #tpu.memory_space<vmem>>) target(%dma_start3A_154 : memref<8x1152xf32, #tpu.memory_space<hbm>>) target_semaphore(%arg17 : memref<!tpu.dma_semaphore, #tpu.memory_space<semaphore_mem>>)
      %gt3A_158 = arith.constant 0 : i32
      %gt3A_159 = arith.cmpi sgt, %add3A_117, %gt3A_158 : i32
      %convert_element_type3A_160 = arith.extui %gt3A_159 : i1 to i32
      %cond3A_161 = arith.constant 0 : i32
      %cond3A_162 = arith.cmpi ne, %convert_element_type3A_160, %cond3A_161 : i32
      scf.if %cond3A_162 {
        %sub3A = arith.constant 1 : i32
        %sub3A_170 = arith.subi %add3A_117, %sub3A : i32
        %add3A_171 = arith.addi %mul3A_2, %sub3A_170 : i32
        %dma_wait3A_172 = arith.constant 0 : i32
        %dma_wait3A_173 = arith.constant 0 : i32
        %dma_wait3A_174 = tpu.memref_slice %arg8[%dma_wait3A_172, %dma_wait3A_173] : memref<56x1152xf32, #tpu.memory_space<vmem>> -> memref<48x1152xf32, #tpu.memory_space<vmem>>
        %dma_wait3A_175 = arith.constant 0 : i32
        %dma_wait3A_176 = arith.constant 0 : i32
        %dma_wait3A_177 = tpu.memref_slice %arg4[%add3A_171, %dma_wait3A_175, %dma_wait3A_176] : memref<4096x50x1152xf32, #tpu.memory_space<hbm>> -> memref<1x48x1152xf32, #tpu.memory_space<hbm>>
        %dma_wait3A_178 = tpu.memref_squeeze %dma_wait3A_177 : memref<1x48x1152xf32, #tpu.memory_space<hbm>> -> memref<48x1152xf32, #tpu.memory_space<hbm>>
        %dma_wait3A_179 = arith.constant 0 : i32
        %dma_wait3A_180 = arith.constant 0 : i32
        %dma_wait3A_181 = tpu.memref_slice %arg4[%add3A_171, %dma_wait3A_179, %dma_wait3A_180] : memref<4096x50x1152xf32, #tpu.memory_space<hbm>> -> memref<1x48x1152xf32, #tpu.memory_space<hbm>>
        %dma_wait3A_182 = tpu.memref_squeeze %dma_wait3A_181 : memref<1x48x1152xf32, #tpu.memory_space<hbm>> -> memref<48x1152xf32, #tpu.memory_space<hbm>>
        %dma_wait3A_183 = arith.constant 0 : i32
        %dma_wait3A_184 = arith.constant 0 : i32
        %dma_wait3A_185 = tpu.memref_slice %arg8[%dma_wait3A_183, %dma_wait3A_184] : memref<56x1152xf32, #tpu.memory_space<vmem>> -> memref<48x1152xf32, #tpu.memory_space<vmem>>
        tpu.wait_dma2 semaphore(%arg14 : memref<!tpu.dma_semaphore, #tpu.memory_space<semaphore_mem>>) src(%dma_wait3A_185 : memref<48x1152xf32, #tpu.memory_space<vmem>>) dst(%dma_wait3A_182 : memref<48x1152xf32, #tpu.memory_space<hbm>>)
        %add3A_186 = arith.addi %mul3A_2, %sub3A_170 : i32
        %dma_wait3A_187 = arith.constant 48 : i32
        %dma_wait3A_188 = arith.constant 0 : i32
        %dma_wait3A_189 = tpu.memref_slice %arg8[%dma_wait3A_187, %dma_wait3A_188] : memref<56x1152xf32, #tpu.memory_space<vmem>> -> memref<8x1152xf32, #tpu.memory_space<vmem>>
        %dma_wait3A_190 = arith.constant 0 : i32
        %dma_wait3A_191 = arith.constant 0 : i32
        %dma_wait3A_192 = tpu.memref_slice %arg5[%add3A_186, %dma_wait3A_190, %dma_wait3A_191] : memref<4096x8x1152xf32, #tpu.memory_space<hbm>> -> memref<1x8x1152xf32, #tpu.memory_space<hbm>>
        %dma_wait3A_193 = tpu.memref_squeeze %dma_wait3A_192 : memref<1x8x1152xf32, #tpu.memory_space<hbm>> -> memref<8x1152xf32, #tpu.memory_space<hbm>>
        %dma_wait3A_194 = arith.constant 0 : i32
        %dma_wait3A_195 = arith.constant 0 : i32
        %dma_wait3A_196 = tpu.memref_slice %arg5[%add3A_186, %dma_wait3A_194, %dma_wait3A_195] : memref<4096x8x1152xf32, #tpu.memory_space<hbm>> -> memref<1x8x1152xf32, #tpu.memory_space<hbm>>
        %dma_wait3A_197 = tpu.memref_squeeze %dma_wait3A_196 : memref<1x8x1152xf32, #tpu.memory_space<hbm>> -> memref<8x1152xf32, #tpu.memory_space<hbm>>
        %dma_wait3A_198 = arith.constant 48 : i32
        %dma_wait3A_199 = arith.constant 0 : i32
        %dma_wait3A_200 = tpu.memref_slice %arg8[%dma_wait3A_198, %dma_wait3A_199] : memref<56x1152xf32, #tpu.memory_space<vmem>> -> memref<8x1152xf32, #tpu.memory_space<vmem>>
        tpu.wait_dma2 semaphore(%arg16 : memref<!tpu.dma_semaphore, #tpu.memory_space<semaphore_mem>>) src(%dma_wait3A_200 : memref<8x1152xf32, #tpu.memory_space<vmem>>) dst(%dma_wait3A_197 : memref<8x1152xf32, #tpu.memory_space<hbm>>)
      } else {
      }
      %add3A_163 = arith.constant 1 : i32
      %add3A_164 = arith.addi %add3A_117, %add3A_163 : i32
      %lt3A_165 = arith.constant 128 : i32
      %lt3A_166 = arith.cmpi slt, %add3A_164, %lt3A_165 : i32
      %convert_element_type3A_167 = arith.extui %lt3A_166 : i1 to i32
      %cond3A_168 = arith.constant 0 : i32
      %cond3A_169 = arith.cmpi ne, %convert_element_type3A_167, %cond3A_168 : i32
      scf.if %cond3A_169 {
        %add3A_170 = arith.addi %mul3A_2, %add3A_117 : i32
        %add3A_171 = arith.constant 1 : i32
        %add3A_172 = arith.addi %add3A_170, %add3A_171 : i32
        %dma_wait3A_173 = arith.constant 0 : i32
        %dma_wait3A_174 = tpu.memref_slice %arg2[%add3A_172, %dma_wait3A_173] : memref<4096x56xi32, #tpu.memory_space<hbm>> -> memref<1x56xi32, #tpu.memory_space<hbm>>
        %dma_wait3A_175 = tpu.memref_squeeze %dma_wait3A_174 : memref<1x56xi32, #tpu.memory_space<hbm>> -> memref<56xi32, #tpu.memory_space<hbm>>
        %dma_wait3A_176 = arith.constant 0 : i32
        %dma_wait3A_177 = tpu.memref_slice %arg2[%add3A_172, %dma_wait3A_176] : memref<4096x56xi32, #tpu.memory_space<hbm>> -> memref<1x56xi32, #tpu.memory_space<hbm>>
        %dma_wait3A_178 = tpu.memref_squeeze %dma_wait3A_177 : memref<1x56xi32, #tpu.memory_space<hbm>> -> memref<56xi32, #tpu.memory_space<hbm>>
        tpu.wait_dma2 semaphore(%arg10 : memref<!tpu.dma_semaphore, #tpu.memory_space<semaphore_mem>>) src(%dma_wait3A_178 : memref<56xi32, #tpu.memory_space<hbm>>) dst(%arg6 : memref<56xi32, #tpu.memory_space<vmem>>)
        %dma_start3A_179 = arith.constant 0 : i32
        %dma_start3A_180 = arith.constant 0 : i32
        %dma_start3A_181 = tpu.memref_slice %arg3[%dma_start3A_179, %dma_start3A_180] : memref<262144x1152xf32, #tpu.memory_space<hbm>> -> memref<262144x1152xf32, #tpu.memory_space<hbm>>
        tpu.enqueue_indirect_dma source(%dma_start3A_181 : memref<262144x1152xf32, #tpu.memory_space<hbm>>) target(%arg8 : memref<56x1152xf32, #tpu.memory_space<vmem>>) offsets(%arg6 : memref<56xi32, #tpu.memory_space<vmem>>) semaphore(%arg12 : memref<!tpu.dma_semaphore, #tpu.memory_space<semaphore_mem>>)
      } else {
      }
    }
    %scan3A_28 = arith.constant 64 : i32
    %add3A_29 = arith.constant 127 : i32
    %add3A_30 = arith.addi %mul3A_2, %add3A_29 : i32
    %dma_wait3A_31 = arith.constant 0 : i32
    %dma_wait3A_32 = arith.constant 0 : i32
    %dma_wait3A_33 = tpu.memref_slice %arg9[%dma_wait3A_31, %dma_wait3A_32] : memref<56x1152xf32, #tpu.memory_space<vmem>> -> memref<48x1152xf32, #tpu.memory_space<vmem>>
    %dma_wait3A_34 = arith.constant 0 : i32
    %dma_wait3A_35 = arith.constant 0 : i32
    %dma_wait3A_36 = tpu.memref_slice %arg4[%add3A_30, %dma_wait3A_34, %dma_wait3A_35] : memref<4096x50x1152xf32, #tpu.memory_space<hbm>> -> memref<1x48x1152xf32, #tpu.memory_space<hbm>>
    %dma_wait3A_37 = tpu.memref_squeeze %dma_wait3A_36 : memref<1x48x1152xf32, #tpu.memory_space<hbm>> -> memref<48x1152xf32, #tpu.memory_space<hbm>>
    %dma_wait3A_38 = arith.constant 0 : i32
    %dma_wait3A_39 = arith.constant 0 : i32
    %dma_wait3A_40 = tpu.memref_slice %arg4[%add3A_30, %dma_wait3A_38, %dma_wait3A_39] : memref<4096x50x1152xf32, #tpu.memory_space<hbm>> -> memref<1x48x1152xf32, #tpu.memory_space<hbm>>
    %dma_wait3A_41 = tpu.memref_squeeze %dma_wait3A_40 : memref<1x48x1152xf32, #tpu.memory_space<hbm>> -> memref<48x1152xf32, #tpu.memory_space<hbm>>
    %dma_wait3A_42 = arith.constant 0 : i32
    %dma_wait3A_43 = arith.constant 0 : i32
    %dma_wait3A_44 = tpu.memref_slice %arg9[%dma_wait3A_42, %dma_wait3A_43] : memref<56x1152xf32, #tpu.memory_space<vmem>> -> memref<48x1152xf32, #tpu.memory_space<vmem>>
    tpu.wait_dma2 semaphore(%arg15 : memref<!tpu.dma_semaphore, #tpu.memory_space<semaphore_mem>>) src(%dma_wait3A_44 : memref<48x1152xf32, #tpu.memory_space<vmem>>) dst(%dma_wait3A_41 : memref<48x1152xf32, #tpu.memory_space<hbm>>)
    %add3A_45 = arith.constant 127 : i32
    %add3A_46 = arith.addi %mul3A_2, %add3A_45 : i32
    %dma_wait3A_47 = arith.constant 48 : i32
    %dma_wait3A_48 = arith.constant 0 : i32
    %dma_wait3A_49 = tpu.memref_slice %arg9[%dma_wait3A_47, %dma_wait3A_48] : memref<56x1152xf32, #tpu.memory_space<vmem>> -> memref<8x1152xf32, #tpu.memory_space<vmem>>
    %dma_wait3A_50 = arith.constant 0 : i32
    %dma_wait3A_51 = arith.constant 0 : i32
    %dma_wait3A_52 = tpu.memref_slice %arg5[%add3A_46, %dma_wait3A_50, %dma_wait3A_51] : memref<4096x8x1152xf32, #tpu.memory_space<hbm>> -> memref<1x8x1152xf32, #tpu.memory_space<hbm>>
    %dma_wait3A_53 = tpu.memref_squeeze %dma_wait3A_52 : memref<1x8x1152xf32, #tpu.memory_space<hbm>> -> memref<8x1152xf32, #tpu.memory_space<hbm>>
    %dma_wait3A_54 = arith.constant 0 : i32
    %dma_wait3A_55 = arith.constant 0 : i32
    %dma_wait3A_56 = tpu.memref_slice %arg5[%add3A_46, %dma_wait3A_54, %dma_wait3A_55] : memref<4096x8x1152xf32, #tpu.memory_space<hbm>> -> memref<1x8x1152xf32, #tpu.memory_space<hbm>>
    %dma_wait3A_57 = tpu.memref_squeeze %dma_wait3A_56 : memref<1x8x1152xf32, #tpu.memory_space<hbm>> -> memref<8x1152xf32, #tpu.memory_space<hbm>>
    %dma_wait3A_58 = arith.constant 48 : i32
    %dma_wait3A_59 = arith.constant 0 : i32
    %dma_wait3A_60 = tpu.memref_slice %arg9[%dma_wait3A_58, %dma_wait3A_59] : memref<56x1152xf32, #tpu.memory_space<vmem>> -> memref<8x1152xf32, #tpu.memory_space<vmem>>
    tpu.wait_dma2 semaphore(%arg17 : memref<!tpu.dma_semaphore, #tpu.memory_space<semaphore_mem>>) src(%dma_wait3A_60 : memref<8x1152xf32, #tpu.memory_space<vmem>>) dst(%dma_wait3A_57 : memref<8x1152xf32, #tpu.memory_space<hbm>>)
    return
  }
}

</mosaic_0001>

<sc_bundles>
// kernel: kernel.3.cloned.1.call-start
scs
__scs_entry_jumppad:
0x0: {  	(pc) =	sbr.rel $0x88, $3  }
0x1: {  	(tag) =	ssettag $0x0;
	lr =	simm.s32 $0x1  }
0x2: {  	[smem:$0x3F9F] =	sst lr;
	_ =	strace $0xD0000000  }
0x3: {  	_ = 	snop  }
0x4: {  	_ = 	snop  }
0x5: {  	_ = 	snop  }
0x6: {  	_ = 	snop  }
0x7: {  	_ = 	snop  }
__scs_overlays_trampoline_lowered:
0x8: {  	[smem:$0x3FAE] =	sst s0  }
0x9: {  	[smem:$0x3FAF] =	sst s1  }
0xa: {  	[smem:$0x3FB0] =	sst s2  }
0xb: {  	[smem:$0x3FB1] =	sst s3  }
0xc: {  	[smem:$0x3FB2] =	sst s4  }
0xd: {  	[smem:$0x3FB3] =	sst s5  }
0xe: {  	[smem:$0x3FB4] =	sst s6  }
0xf: {  	[smem:$0x3FB5] =	sst s7  }
0x10: {  	[smem:$0x3FB6] =	sst s8  }
0x11: {  	[smem:$0x3FB7] =	sst s9;
	s0 =	simm.s32 @!p0 $0x0  }
0x12: {  	s1 =	sld [smem:$0x3F9D];
	s0 =	simm.s32 @p0 $0x1  }
0x13: {  	[smem:$0x3FB8] =	sst s0;
	s0 =	simm.s32 @!p1 $0x0  }
0x14: {  	s2 =	sld [smem:$0x3F9C];
	s0 =	simm.s32 @p1 $0x1  }
0x15: {  	[smem:$0x3FB9] =	sst s0;
	s0 =	simm.s32 @!p2 $0x0  }
0x16: {  	s3 =	sld [smem:$0x3FDB];
	s0 =	simm.s32 @p2 $0x1  }
0x17: {  	s4 =	simm.s32 $0x1BF5;
	[smem:$0x3FBB] =	sst s0  }
0x18: {  	s0 =	sld [smem:$0x3F9E];
	_ =	swait.ge [sflag:s4], $0x0  }
0x19: {  	s7 =	sld [smem:$0x3F9F]  }
0x1a: {  	s8 =	sadd.s32 $0xFFFFE003, lr  }
0x1b: {  	s9 =	sadd.s32 $0xFFFFFEF7, lr;
	s5 =	simm.s32 $0xFFFFFFFF;
	p2 =	slt.u32 s8, $0xFFFFF086  }
0x1c: {  	p1 =	slt.u32 s9, $0xF7A;
	s5 =	simm.s32 @!p2 $0x0  }
0x1d: {  	s5 =	simm.s32 @p1 $0x1;
	p0 =	seq.s32 s7, s2  }
0x1e: {  	s7 =	smul.u32 @!p0 $0xF7A, s2;
	p2 =	seq.s32 @!p0 s5, $0x0  }
0x1f: {  	s9 =	smul.u32 $0xF7A, s1;
	s8 =	simm.s32 @!p0 $0x1BF5;
	p2 =	por !p2, p0  }
0x20: {  	[sflag:s8] =	ssyncset.s32 @!p0 $0xFFFFF086;
	s6 =	sadd.s32 @!p0 s3, s7;
	s7 =	simm.s32 @!p0 $0x108  }
0x21: {  	s3 =	sadd.s32 s3, s9;
	s6 =	sadd.s32 @!p0 $0x88, s6;
	s7 =	simm.s32 @p2 $0x1082  }
0x22: {  	[simem:s7], [sflag:s8] =	dma.local @!p0 [hbm:s6], $0xF7A  }
0x23: {  	s9 =	sor.u32 $0xD0000000, s2;
	s6 =	simm.s32 $0x108;
	_ =	swait.ge @!p0 [sflag:s8], $0x0  }
0x24: {  	s3 =	sadd.s32 $0x88, s3;
	s6 =	simm.s32 @!p1 $0x1082;
	[sflag:s4] =	ssyncset.s32 $0xFFFFF086  }
0x25: {  	[simem:s6], [sflag:s4] =	dma.local [hbm:s3], $0xF7A  }
0x26: {  	[smem:$0x3F9F] =	sst s1;
	(tag) =	ssettag s2;
	_ =	strace s9  }
0x27: {  	s1 =	sld [smem:$0x3FAF]  }
0x28: {  	s2 =	sld [smem:$0x3FB0]  }
0x29: {  	s4 =	sld [smem:$0x3FB2]  }
0x2a: {  	p0 =	seq.s32 s5, $0x0;
	s5 =	sld [smem:$0x3FB3]  }
0x2b: {  	s6 =	sld [smem:$0x3FB4]  }
0x2c: {  	s7 =	sld [smem:$0x3FB5]  }
0x2d: {  	s3 =	simm.s32 $0x108;
	s8 =	sld [smem:$0x3FB6]  }
0x2e: {  	s3 =	simm.s32 @!p0 $0x1082;
	s9 =	sld [smem:$0x3FB7]  }
0x2f: {  	lr =	sadd.s32 s0, s3;
	s0 =	sld [smem:$0x3FAE]  }
0x30: {  	s3 =	sld [smem:$0x3FB1]  }
0x31: {  	[smem:$0x3FBA] =	sst s10  }
0x32: {  	s10 =	sld [smem:$0x3FB8];
	_ =	sdelay $0x3  }
0x33: {  	p0 =	seq.s32 s10, $0x1;
	s10 =	sld [smem:$0x3FBA];
	_ =	sdelay $0x3  }
0x34: {  	[smem:$0x3FBA] =	sst s10  }
0x35: {  	s10 =	sld [smem:$0x3FB9];
	_ =	sdelay $0x3  }
0x36: {  	p1 =	seq.s32 s10, $0x1;
	s10 =	sld [smem:$0x3FBA];
	_ =	sdelay $0x3  }
0x37: {  	[smem:$0x3FBA] =	sst s10  }
0x38: {  	s10 =	sld [smem:$0x3FBB]  }
0x39: {  	_ = 	snop;
	(pc) =	sbr.ind lr, $3  }
0x3a: {  	_ = 	snop  }
0x3b: {  	_ = 	snop  }
0x3c: {  	p2 =	seq.s32 s10, $0x1;
	s10 =	sld [smem:$0x3FBA]  }
0x3d: {  	_ =	shalt  }
0x3e: {  	_ =	shalt  }
0x3f: {  	_ =	shalt  }
0x40: {  	_ =	shalt  }
0x41: {  	_ =	shalt  }
0x42: {  	_ =	shalt  }
0x43: {  	_ =	shalt  }
0x44: {  	_ =	shalt  }
0x45: {  	_ =	shalt  }
0x46: {  	_ =	shalt  }
0x47: {  	_ =	shalt  }
0x48: {  	_ =	shalt  }
0x49: {  	_ =	shalt  }
0x4a: {  	_ =	shalt  }
0x4b: {  	_ =	shalt  }
0x4c: {  	_ =	shalt  }
0x4d: {  	_ =	shalt  }
0x4e: {  	_ =	shalt  }
0x4f: {  	_ =	shalt  }
0x50: {  	_ =	shalt  }
0x51: {  	_ =	shalt  }
0x52: {  	_ =	shalt  }
0x53: {  	_ =	shalt  }
0x54: {  	_ =	shalt  }
0x55: {  	_ =	shalt  }
0x56: {  	_ =	shalt  }
0x57: {  	_ =	shalt  }
0x58: {  	_ =	shalt  }
0x59: {  	_ =	shalt  }
0x5a: {  	_ =	shalt  }
0x5b: {  	_ =	shalt  }
0x5c: {  	_ =	shalt  }
0x5d: {  	_ =	shalt  }
0x5e: {  	_ =	shalt  }
0x5f: {  	_ =	shalt  }
0x60: {  	_ =	shalt  }
0x61: {  	_ =	shalt  }
0x62: {  	_ =	shalt  }
0x63: {  	_ =	shalt  }
0x64: {  	_ =	shalt  }
0x65: {  	_ =	shalt  }
0x66: {  	_ =	shalt  }
0x67: {  	_ =	shalt  }
0x68: {  	_ =	shalt  }
0x69: {  	_ =	shalt  }
0x6a: {  	_ =	shalt  }
0x6b: {  	_ =	shalt  }
0x6c: {  	_ =	shalt  }
0x6d: {  	_ =	shalt  }
0x6e: {  	_ =	shalt  }
0x6f: {  	_ =	shalt  }
0x70: {  	_ =	shalt  }
0x71: {  	_ =	shalt  }
0x72: {  	_ =	shalt  }
0x73: {  	_ =	shalt  }
0x74: {  	_ =	shalt  }
0x75: {  	_ =	shalt  }
0x76: {  	_ =	shalt  }
0x77: {  	_ =	shalt  }
0x78: {  	_ =	shalt  }
0x79: {  	_ =	shalt  }
0x7a: {  	_ =	shalt  }
0x7b: {  	_ =	shalt  }
0x7c: {  	_ =	shalt  }
0x7d: {  	_ =	shalt  }
0x7e: {  	_ =	shalt  }
0x7f: {  	_ =	shalt  }
0x80: {  	_ =	shalt  }
0x81: {  	_ =	shalt  }
0x82: {  	_ =	shalt  }
0x83: {  	_ =	shalt  }
0x84: {  	_ =	shalt  }
0x85: {  	_ =	shalt  }
0x86: {  	_ =	shalt  }
0x87: {  	_ =	shalt  }
.Lfunc_end0:
.L_simem_size_0:
called_computation.1_lowered:
.L_overlay_start_0:
0x88: {  	s2 =	sld [smem:$0x3FD9]  }
0x89: {  	s3 =	sld [smem:$0x3FFE];
	_ =	sdelay $0x1  }
0x8a: {  	s1 =	srdreg.scid  }
0x8b: {  	s0 =	sand.u32 $0x1, s1  }
0x8c: {  	s17 =	sshll.u32 s0, $0xA;
	s2 =	sadd.s32 s3, s2  }
0x8d: {  	s2 =	sadd.s32 s2, s17  }
0x8e: {  	[smem:$0x3FC6] =	sst s2  }
0x8f: {  	_ = 	snop  }
0x90: {  	s2 =	sld [smem:$0x3FC8]  }
0x91: {  	s18 =	sld [smem:$0x3FD0];
	(tm) =	ssettm $0x1  }
0x92: {  	s4 =	sld [smem:$0x3FFB];
	_ =	sdelay $0x3  }
0x93: {  	_ =	strace s4  }
0x94: {  	s4 =	sld [smem:$0x3FFC];
	_ =	sdelay $0x3  }
0x95: {  	_ =	strace s4  }
0x96: {  	s4 =	sld [smem:$0x3FFD];
	_ =	sdelay $0x3  }
0x97: {  	_ =	strace s4  }
0x98: {  	_ =	strace $0x8FFFFFFF  }
0x99: {  	s19 =	sld [smem:$0x3FDB];
	_ =	sdelay $0x1  }
0x9a: {  	s5 =	simm.s32 $_scs_section_size  }
0x9b: {  	s6 =	simm.s32 $_size__tile_overlayer_lowered;
	s7 =	simm.s32 $_tile_overlayer_lowered  }
0x9c: {  	s22 =	simm.s32 $0x1BFF;
	s21 =	sshll.u32 s7, $0x1;
	s4 =	sadd.s32 s5, s19  }
0x9d: {  	s8 =	simm.s32 $0x0;
	s20 =	sshll.u32 s6, $0x1;
	s6 =	sadd.s32 s21, s4  }
0x9e: {  	[timem:s8], [sflag:s22] =	dma.local [hbm:s6], s20  }
0x9f: {  	_ =	swait.ge [sflag:s22], s20  }
0xa0: {  	s5 =	ssub.s32 $0x0, s20;
	[sflag:s22] =	ssyncset.done $0x0  }
0xa1: {  	[sflag:s22] =	ssyncadd.s32 s5;
	_ =	sdelay $0x1  }
0xa2: {  	s23 =	simm.s32 $0x1B8B  }
0xa3: {  	_ =	swait.ge [sflag:s23], $0x1  }
0xa4: {  	[sflag:s23] =	ssyncset.done $0x0  }
0xa5: {  	s25 =	simm.s32 $0x1B8E;
	s24 =	sld [smem:$0x3FFE];
	[sflag:s23] =	ssyncadd.s32 $0xFFFFFFFF  }
0xa6: {  	s26 =	simm.s32 $execute0_lowered;
	[smem:$0x3FD2] =	sst s25  }
0xa7: {  	s6 =	sshll.u32 s26, $0x1;
	_ =	strace $0x80000046;
	[dreg:$0x1] =	wrdreg $0xFFFFFFFF  }
0xa8: {  	s28 =	simm.s32 $_size_execute0_lowered;
	s4 =	sadd.s32 s4, s6;
	[dreg:$0x0] =	wrdreg $0x0  }
0xa9: {  	s6 =	sshll.u32 s28, $0x1;
	[dreg:$0x2] =	wrdreg s4  }
0xaa: {  	[dreg:$0x3] =	wrdreg s6  }
0xab: {  	[dreg:$0x4] =	wrdreg $0xC0  }
0xac: {  	_ =	task [dreg:s8], $0x5FFFF  }
0xad: {  	[dreg:$0x1] =	wrdreg $0xFFFFFFFF  }
0xae: {  	[dreg:$0x0] =	wrdreg $0x60  }
0xaf: {  	[dreg:$0x2] =	wrdreg s24  }
0xb0: {  	[dreg:$0x3] =	wrdreg s2  }
0xb1: {  	[dreg:$0x4] =	wrdreg s18  }
0xb2: {  	[dreg:$0x5] =	wrdreg $0x9  }
0xb3: {  	_ =	task.clear_ibuf [dreg:s8], $0x6FFFF;
	_ =	strace $0x90000046  }
0xb4: {  	s29 =	simm.s32 $0x9;
	_ =	strace $0x80000048  }
0xb5: {  	_ =	swait.ge [sflag:s29], $0x1  }
0xb6: {  	[sflag:s29] =	ssyncadd.s32 $0xFFFFFFFF  }
0xb7: {  	_ =	strace $0x90000048  }
0xb8: {  	_ =	sfence  }
0xb9: {  	s30 =	sld [smem:$0x0];
	_ =	sdelay $0x2  }
0xba: {  	s31 =	sshll.u32 s1, $0xD;
	s1 =	sshrl.u32 s1, $0x2  }
0xbb: {  	s3 =	sand.u32 $0x4000, s31;
	s1 =	sadd.s32 s1, s30  }
0xbc: {  	s0 =	sor.u32 s3, s0;
	s1 =	sshll.u32 s1, $0x11  }
0xbd: {  	s0 =	sor.u32 s1, s0  }
0xbe: {  	s0 =	sadd.s32 $0x8F2B, s0  }
0xbf: {  	[sflag:s0] =	ssyncadd.remote.s32 $0x1  }
0xc0: {  	_ =	sfence.sel $0xFFFF  }
0xc1: {  	[dreg:$0x0] =	wrdreg $0xFFFFFFFF;
	(pc) =	sbr.abs _section_cstart, $3  }
0xc2: {  	[dreg:$0x1] =	wrdreg $0xFFFFFFFF  }
0xc3: {  	_ =	task.clear_ibuf [dreg:s8], $0x2FFFF;
	_ =	strace $0x9FFFFFFF  }
0xc4: {  	(tm) =	ssettm $0x7FFFFFFF  }
0xc5: {  	_ =	shalt  }
tec
execute0_lowered:
.L_overlay_start_1:
0x0: {  	(tag) =	ssettag $0x1  }
0x1: {  	s0 =	rddreg [dreg:$0x0]  }
0x2: {  	s1 =	rddreg [dreg:$0x1]  }
0x3: {  	s2 =	rddreg [dreg:$0x2];
	s3 =	simm.s32 $0x0;
	s4 =	srdreg.scid  }
0x4: {  	s8 =	stileid.u32;
	s15 =	simm.s32 $0x1;
	s16 =	simm.s32 $0x100  }
0x5: {  	s30 =	simm.s32 $0x3;
	s31 =	simm.s32 $0x2;
	s17 =	simm.s32 $0x1B900  }
0x6: {  	s18 =	simm.s32 $0x1C100;
	s19 =	simm.s32 $0x1C900;
	s20 =	simm.s32 $0x1D100  }
0x7: {  	s21 =	simm.s32 $0x1D500;
	s22 =	simm.s32 $0x1DD00;
	s23 =	simm.s32 $0x1E500  }
0x8: {  	s28 =	simm.s32 $0x4;
	s29 =	simm.s32 $0x5;
	[smem:$0x7FF] =	sst s3  }
0x9: {  	s4 =	sand.u32 $0x1, s4;
	s5 =	smul.u32 $0x1F8000, s8;
	s10 =	sshll.u32 s8, $0xC  }
0xa: {  	s12 =	sadd.s32 $0xC00, s0;
	s13 =	smul.u32 $0x48000, s8;
	s8 =	sadd.s32 $0x300, s1  }
0xb: {  	s9 =	sadd.s32 $0x400, s1;
	_ =	strace $0x80000047;
	s14 =	smul.u32 $0x24000, s4  }
0xc: {  	s11 =	sshll.u32 s4, $0xB;
	s6 =	ssub.s32 $0x2, s4;
	s4 =	smul.u32 $0xFC000, s4  }
0xd: {  	s26 =	sadd.s32 s10, s12;
	s7 =	sor.u32 s11, s10;
	s0 =	sadd.s32 s5, s0  }
0xe: {  	s24 =	sshrl.u32 s6, $0x1;
	s2 =	sadd.s32 s13, s2;
	s11 =	sadd.s32 s11, s26  }
0xf: {  	s26 =	simm.s32 $0x1F500;
	s10 =	simm.s32 $0x0;
	s7 =	sadd.s32 s12, s7  }
0x10: {  	s5 =	ssub.s32 s6, s24;
	s6 =	sadd.s32 $0x100, s1;
	s2 =	sadd.s32 s14, s2  }
.Ltmp0:
0x11: {  	s0 =	sadd.s32 s4, s0;
	[dreg:$0x4] =	wrdreg s7;
	(pc) =	sbr.rel .LBB2_1-.Ltmp0, $4  }
0x12: {  	s24 =	simm.s32 $0xD900;
	s25 =	sadd.s32 $0x10, s7;
	[dreg:$0x7] =	wrdreg s2  }
0x13: {  	v2 =	vlaneseq.u32;
	s7 =	sadd.s32 $0x200, s1;
	s5 =	smax.u32 s5, $0x1;
	[dreg:$0x5] =	wrdreg s25  }
0x14: {  	vm0 =	vmmov $0xffff;
	vm1 =	vmmov $0xff;
	v1 =	vshrl.u32 v2, $0x3;
	s0 =	sadd.s32 $0x10C00, s0;
	s2 =	simm.s32 $0x7;
	[dreg:$0x6] =	wrdreg s5  }
0x15: {  	v0 =	vand.u32 $0x7, v2;
	v2 =	vor.u32 $0x8, v2;
	v1 =	vmul.u32 $0x8, v1;
	[dreg:$0x8] =	wrdreg s0;
	s0 =	simm.s32 $0xFD00;
	s25 =	simm.s32 $0x1ED00  }
.LBB2_4:
0x16: {  	s4 =	simm.s32 $0x6  }
0x17: {  	_ =	swait.ge [sflag:s4], $0xD800  }
0x18: {  	[sflag:s4] =	ssyncset.done $0x0  }
0x19: {  	s5 =	simm.s32 $0x8;
	[sflag:s4] =	ssyncadd.s32 $0xFFFF2800  }
0x1a: {  	_ =	swait.ge [sflag:s5], $0x2400  }
0x1b: {  	s10 =	rddreg [dreg:$0x9]  }
0x1c: {  	s14 =	rddreg [dreg:$0x6];
	s10 =	sadd.s32 $0x1, s10  }
0x1d: {  	p0 =	sne.s32 s10, s14  }
.Ltmp1:
0x1e: {  	_ = 	snop;
	(pc) =	sbr.rel @!p0 .LBB2_5-.Ltmp1, $3  }
0x1f: {  	_ =	sdelay $0x1  }
0x20: {  	[sflag:s5] =	ssyncset.done $0x0  }
0x21: {  	[sflag:s5] =	ssyncadd.s32 $0xFFFFDC00  }
.LBB2_1:
0x22: {  	[dreg:$0x9] =	wrdreg s10  }
0x23: {  	s4 =	rddreg [dreg:$0x4]  }
0x24: {  	[tilespmem:s3], [sflag:$0x1] =	stream.linear.gather [hbm4b:s4+s3], $0x80, $0x38;
	[tilespmem:$0x1F900] =	vst v63  }
0x25: {  	s10 =	rddreg [dreg:$0x5];
	s5 =	simm.s32 $0x80  }
0x26: {  	[tilespmem:s5], [sflag:$0x2] =	stream.linear.gather [hbm4b:s10+s3], $0x80, $0x38;
	[tilespmem:$0x1F900] =	vst v63  }
0x27: {  	_ =	swait.ge [sflag:s15], $0x80  }
0x28: {  	[sflag:s15] =	ssyncset.done $0x0  }
0x29: {  	[sflag:s15] =	ssyncadd.s32 $0xFFFFFF80  }
0x2a: {  	v3 =	vld [tilespmem:$0x0];
	_ =	sdelay $0x4  }
0x2b: {  	v4 =	vshrl.u32 v3, $0x3  }
0x2c: {  	v4 =	vmul.u32 $0x48, v4  }
0x2d: {  	v3 =	vand.u32 $0x7, v3  }
0x2e: {  	v3 =	vor.u32 v3, v4  }
0x2f: {  	v4 =	vperm.xlane v3, v0;
	_ =	sdelay $0x1  }
0x30: {  	v4 =	vadd.s32 v1, v4;
	_ =	sdelay $0x4  }
0x31: {  	[tilespmem:s16], [sflag:$0x3] =	stream.indirect_vreg.gather [hbm4b:s1+s3], $0x80, v4, vm0, $0xb8;
	[tilespmem:$0x1F900] =	vst v63  }
0x32: {  	s12 =	simm.s32 $0x900  }
0x33: {  	[tilespmem:s12], [sflag:$0x3] =	stream.indirect_vreg.gather [hbm4b:s6+s3], $0x80, v4, vm0, $0xb8;
	[tilespmem:$0x1F900] =	vst v63  }
0x34: {  	s13 =	simm.s32 $0x1100;
	v3 =	vperm.xlane v3, v2  }
0x35: {  	[tilespmem:s13], [sflag:$0x3] =	stream.indirect_vreg.gather [hbm4b:s7+s3], $0x80, v4, vm0, $0xb8;
	[tilespmem:$0x1F900] =	vst v63  }
0x36: {  	s14 =	simm.s32 $0x1900;
	v3 =	vadd.s32 v1, v3  }
0x37: {  	[tilespmem:s14], [sflag:$0x3] =	stream.indirect_vreg.gather [hbm4b:s8+s3], $0x80, v4, vm0, $0xb8;
	[tilespmem:$0x1F900] =	vst v63  }
0x38: {  	s5 =	simm.s32 $0x2100  }
0x39: {  	[tilespmem:s5], [sflag:$0x3] =	stream.indirect_vreg.gather [hbm4b:s9+s3], $0x80, v4, vm1, $0xb8;
	[tilespmem:$0x1F900] =	vst v63  }
0x3a: {  	s10 =	simm.s32 $0x2500  }
0x3b: {  	[tilespmem:s10], [sflag:$0x3] =	stream.indirect_vreg.gather [hbm4b:s1+s3], $0x80, v3, vm0, $0xb8;
	[tilespmem:$0x1F900] =	vst v63  }
0x3c: {  	s12 =	simm.s32 $0x2D00  }
0x3d: {  	[tilespmem:s12], [sflag:$0x3] =	stream.indirect_vreg.gather [hbm4b:s6+s3], $0x80, v3, vm0, $0xb8;
	[tilespmem:$0x1F900] =	vst v63  }
0x3e: {  	s13 =	simm.s32 $0x3500  }
0x3f: {  	[tilespmem:s13], [sflag:$0x3] =	stream.indirect_vreg.gather [hbm4b:s7+s3], $0x80, v3, vm0, $0xb8;
	[tilespmem:$0x1F900] =	vst v63  }
0x40: {  	s14 =	simm.s32 $0x3D00  }
0x41: {  	[tilespmem:s14], [sflag:$0x3] =	stream.indirect_vreg.gather [hbm4b:s8+s3], $0x80, v3, vm0, $0xb8;
	[tilespmem:$0x1F900] =	vst v63  }
0x42: {  	s5 =	simm.s32 $0x4500  }
0x43: {  	[tilespmem:s5], [sflag:$0x3] =	stream.indirect_vreg.gather [hbm4b:s9+s3], $0x80, v3, vm1, $0xb8;
	[tilespmem:$0x1F900] =	vst v63  }
0x44: {  	v3 =	vld [tilespmem:$0x10];
	_ =	sdelay $0x4  }
0x45: {  	v61 =	vshrl.u32 v3, $0x3  }
0x46: {  	v4 =	vmul.u32 $0x48, v61  }
0x47: {  	v3 =	vand.u32 $0x7, v3  }
0x48: {  	v3 =	vor.u32 v3, v4  }
0x49: {  	v4 =	vperm.xlane v3, v0;
	_ =	sdelay $0x1  }
0x4a: {  	v4 =	vadd.s32 v1, v4;
	_ =	sdelay $0x3  }
0x4b: {  	s10 =	simm.s32 $0x4900  }
0x4c: {  	[tilespmem:s10], [sflag:$0x3] =	stream.indirect_vreg.gather [hbm4b:s1+s3], $0x80, v4, vm0, $0xb8;
	[tilespmem:$0x1F900] =	vst v63  }
0x4d: {  	s12 =	simm.s32 $0x5100  }
0x4e: {  	[tilespmem:s12], [sflag:$0x3] =	stream.indirect_vreg.gather [hbm4b:s6+s3], $0x80, v4, vm0, $0xb8;
	[tilespmem:$0x1F900] =	vst v63  }
0x4f: {  	s13 =	simm.s32 $0x5900;
	v3 =	vperm.xlane v3, v2  }
0x50: {  	[tilespmem:s13], [sflag:$0x3] =	stream.indirect_vreg.gather [hbm4b:s7+s3], $0x80, v4, vm0, $0xb8;
	[tilespmem:$0x1F900] =	vst v63  }
0x51: {  	s14 =	simm.s32 $0x6100;
	v3 =	vadd.s32 v1, v3  }
0x52: {  	[tilespmem:s14], [sflag:$0x3] =	stream.indirect_vreg.gather [hbm4b:s8+s3], $0x80, v4, vm0, $0xb8;
	[tilespmem:$0x1F900] =	vst v63  }
0x53: {  	s5 =	simm.s32 $0x6900  }
0x54: {  	[tilespmem:s5], [sflag:$0x3] =	stream.indirect_vreg.gather [hbm4b:s9+s3], $0x80, v4, vm1, $0xb8;
	[tilespmem:$0x1F900] =	vst v63  }
0x55: {  	s10 =	simm.s32 $0x6D00  }
0x56: {  	[tilespmem:s10], [sflag:$0x3] =	stream.indirect_vreg.gather [hbm4b:s1+s3], $0x80, v3, vm0, $0xb8;
	[tilespmem:$0x1F900] =	vst v63  }
0x57: {  	s12 =	simm.s32 $0x7500  }
0x58: {  	[tilespmem:s12], [sflag:$0x3] =	stream.indirect_vreg.gather [hbm4b:s6+s3], $0x80, v3, vm0, $0xb8;
	[tilespmem:$0x1F900] =	vst v63  }
0x59: {  	s13 =	simm.s32 $0x7D00  }
0x5a: {  	[tilespmem:s13], [sflag:$0x3] =	stream.indirect_vreg.gather [hbm4b:s7+s3], $0x80, v3, vm0, $0xb8;
	[tilespmem:$0x1F900] =	vst v63  }
0x5b: {  	s14 =	simm.s32 $0x8500  }
0x5c: {  	[tilespmem:s14], [sflag:$0x3] =	stream.indirect_vreg.gather [hbm4b:s8+s3], $0x80, v3, vm0, $0xb8;
	[tilespmem:$0x1F900] =	vst v63  }
0x5d: {  	s5 =	simm.s32 $0x8D00  }
0x5e: {  	[tilespmem:s5], [sflag:$0x3] =	stream.indirect_vreg.gather [hbm4b:s9+s3], $0x80, v3, vm1, $0xb8;
	[tilespmem:$0x1F900] =	vst v63  }
0x5f: {  	v3 =	vld [tilespmem:$0x20];
	_ =	sdelay $0x4  }
0x60: {  	v62 =	vshrl.u32 v3, $0x3  }
0x61: {  	v4 =	vmul.u32 $0x48, v62  }
0x62: {  	v3 =	vand.u32 $0x7, v3  }
0x63: {  	v3 =	vor.u32 v3, v4  }
0x64: {  	v4 =	vperm.xlane v3, v0;
	_ =	sdelay $0x1  }
0x65: {  	v4 =	vadd.s32 v1, v4;
	_ =	sdelay $0x3  }
0x66: {  	s10 =	simm.s32 $0x9100  }
0x67: {  	[tilespmem:s10], [sflag:$0x3] =	stream.indirect_vreg.gather [hbm4b:s1+s3], $0x80, v4, vm0, $0xb8;
	[tilespmem:$0x1F900] =	vst v63  }
0x68: {  	s12 =	simm.s32 $0x9900  }
0x69: {  	[tilespmem:s12], [sflag:$0x3] =	stream.indirect_vreg.gather [hbm4b:s6+s3], $0x80, v4, vm0, $0xb8;
	[tilespmem:$0x1F900] =	vst v63  }
0x6a: {  	s13 =	simm.s32 $0xA100;
	v3 =	vperm.xlane v3, v2  }
0x6b: {  	[tilespmem:s13], [sflag:$0x3] =	stream.indirect_vreg.gather [hbm4b:s7+s3], $0x80, v4, vm0, $0xb8;
	[tilespmem:$0x1F900] =	vst v63  }
0x6c: {  	s14 =	simm.s32 $0xA900;
	v3 =	vadd.s32 v1, v3  }
0x6d: {  	[tilespmem:s14], [sflag:$0x3] =	stream.indirect_vreg.gather [hbm4b:s8+s3], $0x80, v4, vm0, $0xb8;
	[tilespmem:$0x1F900] =	vst v63  }
0x6e: {  	s5 =	simm.s32 $0xB100  }
0x6f: {  	[tilespmem:s5], [sflag:$0x3] =	stream.indirect_vreg.gather [hbm4b:s9+s3], $0x80, v4, vm1, $0xb8;
	[tilespmem:$0x1F900] =	vst v63  }
0x70: {  	s10 =	simm.s32 $0xB500  }
0x71: {  	[tilespmem:s10], [sflag:$0x3] =	stream.indirect_vreg.gather [hbm4b:s1+s3], $0x80, v3, vm0, $0xb8;
	[tilespmem:$0x1F900] =	vst v63  }
0x72: {  	s12 =	simm.s32 $0xBD00  }
0x73: {  	[tilespmem:s12], [sflag:$0x3] =	stream.indirect_vreg.gather [hbm4b:s6+s3], $0x80, v3, vm0, $0xb8;
	[tilespmem:$0x1F900] =	vst v63  }
0x74: {  	s13 =	simm.s32 $0xC500  }
0x75: {  	[tilespmem:s13], [sflag:$0x3] =	stream.indirect_vreg.gather [hbm4b:s7+s3], $0x80, v3, vm0, $0xb8;
	[tilespmem:$0x1F900] =	vst v63  }
0x76: {  	s14 =	simm.s32 $0xCD00  }
0x77: {  	[tilespmem:s14], [sflag:$0x3] =	stream.indirect_vreg.gather [hbm4b:s8+s3], $0x80, v3, vm0, $0xb8;
	[tilespmem:$0x1F900] =	vst v63  }
0x78: {  	s5 =	simm.s32 $0xD500  }
0x79: {  	[tilespmem:s5], [sflag:$0x3] =	stream.indirect_vreg.gather [hbm4b:s9+s3], $0x80, v3, vm1, $0xb8;
	[tilespmem:$0x1F900] =	vst v63  }
0x7a: {  	v3 =	vld.msk [tilespmem:$0x30], $0xff;
	_ =	sdelay $0x4  }
0x7b: {  	v63 =	vshrl.u32 v3, $0x3  }
0x7c: {  	v4 =	vmul.u32 $0x48, v63  }
0x7d: {  	v3 =	vand.u32 $0x7, v3  }
0x7e: {  	v3 =	vor.u32 v3, v4  }
0x7f: {  	v3 =	vperm.xlane v3, v0;
	_ =	sdelay $0x1  }
0x80: {  	v3 =	vadd.s32 v1, v3;
	_ =	sdelay $0x4  }
0x81: {  	[tilespmem:s24], [sflag:$0x3] =	stream.indirect_vreg.gather [hbm4b:s1+s3], $0x80, v3, vm0, $0xb8;
	[tilespmem:$0x1F900] =	vst v63  }
0x82: {  	s10 =	simm.s32 $0xE100  }
0x83: {  	[tilespmem:s10], [sflag:$0x3] =	stream.indirect_vreg.gather [hbm4b:s6+s3], $0x80, v3, vm0, $0xb8;
	[tilespmem:$0x1F900] =	vst v63  }
0x84: {  	s12 =	simm.s32 $0xE900  }
0x85: {  	[tilespmem:s12], [sflag:$0x3] =	stream.indirect_vreg.gather [hbm4b:s7+s3], $0x80, v3, vm0, $0xb8;
	[tilespmem:$0x1F900] =	vst v63  }
0x86: {  	s13 =	simm.s32 $0xF100  }
0x87: {  	[tilespmem:s13], [sflag:$0x3] =	stream.indirect_vreg.gather [hbm4b:s8+s3], $0x80, v3, vm0, $0xb8;
	[tilespmem:$0x1F900] =	vst v63  }
0x88: {  	s14 =	simm.s32 $0xF900;
	s5 =	rddreg [dreg:$0x7]  }
0x89: {  	[tilespmem:s14], [sflag:$0x3] =	stream.indirect_vreg.gather [hbm4b:s9+s3], $0x80, v3, vm1, $0xb8;
	[tilespmem:$0x1F900] =	vst v63  }
0x8a: {  	s10 =	simm.s32 $0x0;
	s14 =	rddreg [dreg:$0x8]  }
.LBB2_2:
0x8b: {  	_ =	swait.ge [sflag:s30], $0xFC00;
	p0 =	seq.s32 s10, $0x7E0  }
0x8c: {  	[sflag:s30] =	ssyncset.done $0x0;
	s4 =	sadd.s32 @!p0 s10, s11  }
0x8d: {  	s12 =	simm.s32 @!p0 $0x0;
	[sflag:s30] =	ssyncadd.s32 $0xFFFF0400;
	s13 =	sadd.s32 @!p0 $0x20, s4  }
0x8e: {  	[tilespmem:s12], [sflag:$0x1] =	stream.linear.gather @!p0 [hbm4b:s13+s12], $0x80, $0x38;
	[tilespmem:$0x1F900] =	vst v63  }
0x8f: {  	p1 =	seq.s32 s10, $0x0  }
0x90: {  	[hbm4b:s14+s3] =	stream.linear.scatter [tilespmem:s16], [sflag:$0x5], $0xD800, $0x38;
	[tilespmem:$0x1F900] =	vst v63  }
0x91: {  	s13 =	simm.s32 @!p1 $0x6  }
0x92: {  	[hbm4b:s5+s3] =	stream.linear.scatter [tilespmem:s24], [sflag:$0x7], $0x2400, $0x38;
	[tilespmem:$0x1F900] =	vst v63  }
0x93: {  	_ =	swait.ge @!p1 [sflag:s13], $0xD800  }
0x94: {  	[sflag:s13] =	ssyncset.done @!p1 $0x0  }
0x95: {  	[sflag:s13] =	ssyncadd.s32 @!p1 $0xFFFF2800;
	s13 =	simm.s32 @!p1 $0x8  }
0x96: {  	_ =	swait.ge @!p1 [sflag:s13], $0x2400  }
0x97: {  	[sflag:s13] =	ssyncset.done @!p1 $0x0  }
0x98: {  	[sflag:s13] =	ssyncadd.s32 @!p1 $0xFFFFDC00  }
0x99: {  	_ =	swait.ge [sflag:s31], $0x80  }
0x9a: {  	[sflag:s31] =	ssyncset.done $0x0  }
0x9b: {  	[sflag:s31] =	ssyncadd.s32 $0xFFFFFF80  }
0x9c: {  	v3 =	vld [tilespmem:$0x80];
	_ =	sdelay $0x4  }
0x9d: {  	v4 =	vshrl.u32 v3, $0x3  }
0x9e: {  	v4 =	vmul.u32 $0x48, v4  }
0x9f: {  	v3 =	vand.u32 $0x7, v3  }
0xa0: {  	v3 =	vor.u32 v3, v4  }
0xa1: {  	v4 =	vperm.xlane v3, v0;
	_ =	sdelay $0x1  }
0xa2: {  	v4 =	vadd.s32 v1, v4;
	_ =	sdelay $0x4  }
0xa3: {  	[tilespmem:s0], [sflag:$0x4] =	stream.indirect_vreg.gather [hbm4b:s1+s3], $0x80, v4, vm0, $0xb8;
	[tilespmem:$0x1F900] =	vst v63  }
0xa4: {  	s13 =	simm.s32 $0x10500  }
0xa5: {  	[tilespmem:s13], [sflag:$0x4] =	stream.indirect_vreg.gather [hbm4b:s6+s3], $0x80, v4, vm0, $0xb8;
	[tilespmem:$0x1F900] =	vst v63  }
0xa6: {  	v3 =	vperm.xlane v3, v2;
	s13 =	simm.s32 $0x10D00  }
0xa7: {  	[tilespmem:s13], [sflag:$0x4] =	stream.indirect_vreg.gather [hbm4b:s7+s3], $0x80, v4, vm0, $0xb8;
	[tilespmem:$0x1F900] =	vst v63  }
0xa8: {  	v3 =	vadd.s32 v1, v3;
	s13 =	simm.s32 $0x11500  }
0xa9: {  	[tilespmem:s13], [sflag:$0x4] =	stream.indirect_vreg.gather [hbm4b:s8+s3], $0x80, v4, vm0, $0xb8;
	[tilespmem:$0x1F900] =	vst v63  }
0xaa: {  	s13 =	simm.s32 $0x11D00  }
0xab: {  	[tilespmem:s13], [sflag:$0x4] =	stream.indirect_vreg.gather [hbm4b:s9+s3], $0x80, v4, vm1, $0xb8;
	[tilespmem:$0x1F900] =	vst v63  }
0xac: {  	s13 =	simm.s32 $0x12100  }
0xad: {  	[tilespmem:s13], [sflag:$0x4] =	stream.indirect_vreg.gather [hbm4b:s1+s3], $0x80, v3, vm0, $0xb8;
	[tilespmem:$0x1F900] =	vst v63  }
0xae: {  	s13 =	simm.s32 $0x12900  }
0xaf: {  	[tilespmem:s13], [sflag:$0x4] =	stream.indirect_vreg.gather [hbm4b:s6+s3], $0x80, v3, vm0, $0xb8;
	[tilespmem:$0x1F900] =	vst v63  }
0xb0: {  	s13 =	simm.s32 $0x13100  }
0xb1: {  	[tilespmem:s13], [sflag:$0x4] =	stream.indirect_vreg.gather [hbm4b:s7+s3], $0x80, v3, vm0, $0xb8;
	[tilespmem:$0x1F900] =	vst v63  }
0xb2: {  	s13 =	simm.s32 $0x13900  }
0xb3: {  	[tilespmem:s13], [sflag:$0x4] =	stream.indirect_vreg.gather [hbm4b:s8+s3], $0x80, v3, vm0, $0xb8;
	[tilespmem:$0x1F900] =	vst v63  }
0xb4: {  	s13 =	simm.s32 $0x14100  }
0xb5: {  	[tilespmem:s13], [sflag:$0x4] =	stream.indirect_vreg.gather [hbm4b:s9+s3], $0x80, v3, vm1, $0xb8;
	[tilespmem:$0x1F900] =	vst v63  }
0xb6: {  	v3 =	vld [tilespmem:$0x90];
	_ =	sdelay $0x4  }
0xb7: {  	v61 =	vshrl.u32 v3, $0x3  }
0xb8: {  	v4 =	vmul.u32 $0x48, v61  }
0xb9: {  	v3 =	vand.u32 $0x7, v3  }
0xba: {  	v3 =	vor.u32 v3, v4  }
0xbb: {  	v4 =	vperm.xlane v3, v0;
	_ =	sdelay $0x1  }
0xbc: {  	v4 =	vadd.s32 v1, v4;
	_ =	sdelay $0x3  }
0xbd: {  	s13 =	simm.s32 $0x14500  }
0xbe: {  	[tilespmem:s13], [sflag:$0x4] =	stream.indirect_vreg.gather [hbm4b:s1+s3], $0x80, v4, vm0, $0xb8;
	[tilespmem:$0x1F900] =	vst v63  }
0xbf: {  	s13 =	simm.s32 $0x14D00  }
0xc0: {  	[tilespmem:s13], [sflag:$0x4] =	stream.indirect_vreg.gather [hbm4b:s6+s3], $0x80, v4, vm0, $0xb8;
	[tilespmem:$0x1F900] =	vst v63  }
0xc1: {  	v3 =	vperm.xlane v3, v2;
	s13 =	simm.s32 $0x15500  }
0xc2: {  	[tilespmem:s13], [sflag:$0x4] =	stream.indirect_vreg.gather [hbm4b:s7+s3], $0x80, v4, vm0, $0xb8;
	[tilespmem:$0x1F900] =	vst v63  }
0xc3: {  	v3 =	vadd.s32 v1, v3;
	s13 =	simm.s32 $0x15D00  }
0xc4: {  	[tilespmem:s13], [sflag:$0x4] =	stream.indirect_vreg.gather [hbm4b:s8+s3], $0x80, v4, vm0, $0xb8;
	[tilespmem:$0x1F900] =	vst v63  }
0xc5: {  	s13 =	simm.s32 $0x16500  }
0xc6: {  	[tilespmem:s13], [sflag:$0x4] =	stream.indirect_vreg.gather [hbm4b:s9+s3], $0x80, v4, vm1, $0xb8;
	[tilespmem:$0x1F900] =	vst v63  }
0xc7: {  	s13 =	simm.s32 $0x16900  }
0xc8: {  	[tilespmem:s13], [sflag:$0x4] =	stream.indirect_vreg.gather [hbm4b:s1+s3], $0x80, v3, vm0, $0xb8;
	[tilespmem:$0x1F900] =	vst v63  }
0xc9: {  	s13 =	simm.s32 $0x17100  }
0xca: {  	[tilespmem:s13], [sflag:$0x4] =	stream.indirect_vreg.gather [hbm4b:s6+s3], $0x80, v3, vm0, $0xb8;
	[tilespmem:$0x1F900] =	vst v63  }
0xcb: {  	s13 =	simm.s32 $0x17900  }
0xcc: {  	[tilespmem:s13], [sflag:$0x4] =	stream.indirect_vreg.gather [hbm4b:s7+s3], $0x80, v3, vm0, $0xb8;
	[tilespmem:$0x1F900] =	vst v63  }
0xcd: {  	s13 =	simm.s32 $0x18100  }
0xce: {  	[tilespmem:s13], [sflag:$0x4] =	stream.indirect_vreg.gather [hbm4b:s8+s3], $0x80, v3, vm0, $0xb8;
	[tilespmem:$0x1F900] =	vst v63  }
0xcf: {  	s13 =	simm.s32 $0x18900  }
0xd0: {  	[tilespmem:s13], [sflag:$0x4] =	stream.indirect_vreg.gather [hbm4b:s9+s3], $0x80, v3, vm1, $0xb8;
	[tilespmem:$0x1F900] =	vst v63  }
0xd1: {  	v3 =	vld [tilespmem:$0xA0];
	_ =	sdelay $0x4  }
0xd2: {  	v62 =	vshrl.u32 v3, $0x3  }
0xd3: {  	v4 =	vmul.u32 $0x48, v62  }
0xd4: {  	v3 =	vand.u32 $0x7, v3  }
0xd5: {  	v3 =	vor.u32 v3, v4  }
0xd6: {  	v4 =	vperm.xlane v3, v0;
	_ =	sdelay $0x1  }
0xd7: {  	v4 =	vadd.s32 v1, v4;
	_ =	sdelay $0x3  }
0xd8: {  	s13 =	simm.s32 $0x18D00  }
0xd9: {  	[tilespmem:s13], [sflag:$0x4] =	stream.indirect_vreg.gather [hbm4b:s1+s3], $0x80, v4, vm0, $0xb8;
	[tilespmem:$0x1F900] =	vst v63  }
0xda: {  	s13 =	simm.s32 $0x19500  }
0xdb: {  	[tilespmem:s13], [sflag:$0x4] =	stream.indirect_vreg.gather [hbm4b:s6+s3], $0x80, v4, vm0, $0xb8;
	[tilespmem:$0x1F900] =	vst v63  }
0xdc: {  	v3 =	vperm.xlane v3, v2;
	s13 =	simm.s32 $0x19D00  }
0xdd: {  	[tilespmem:s13], [sflag:$0x4] =	stream.indirect_vreg.gather [hbm4b:s7+s3], $0x80, v4, vm0, $0xb8;
	[tilespmem:$0x1F900] =	vst v63  }
0xde: {  	v3 =	vadd.s32 v1, v3;
	s13 =	simm.s32 $0x1A500  }
0xdf: {  	[tilespmem:s13], [sflag:$0x4] =	stream.indirect_vreg.gather [hbm4b:s8+s3], $0x80, v4, vm0, $0xb8;
	[tilespmem:$0x1F900] =	vst v63  }
0xe0: {  	s13 =	simm.s32 $0x1AD00  }
0xe1: {  	[tilespmem:s13], [sflag:$0x4] =	stream.indirect_vreg.gather [hbm4b:s9+s3], $0x80, v4, vm1, $0xb8;
	[tilespmem:$0x1F900] =	vst v63  }
0xe2: {  	s13 =	simm.s32 $0x1B100  }
0xe3: {  	[tilespmem:s13], [sflag:$0x4] =	stream.indirect_vreg.gather [hbm4b:s1+s3], $0x80, v3, vm0, $0xb8;
	[tilespmem:$0x1F900] =	vst v63  }
0xe4: {  	_ = 	snop  }
0xe5: {  	[tilespmem:s17], [sflag:$0x4] =	stream.indirect_vreg.gather [hbm4b:s6+s3], $0x80, v3, vm0, $0xb8;
	[tilespmem:$0x1F900] =	vst v63  }
0xe6: {  	_ = 	snop  }
0xe7: {  	[tilespmem:s18], [sflag:$0x4] =	stream.indirect_vreg.gather [hbm4b:s7+s3], $0x80, v3, vm0, $0xb8;
	[tilespmem:$0x1F900] =	vst v63  }
0xe8: {  	_ = 	snop  }
0xe9: {  	[tilespmem:s19], [sflag:$0x4] =	stream.indirect_vreg.gather [hbm4b:s8+s3], $0x80, v3, vm0, $0xb8;
	[tilespmem:$0x1F900] =	vst v63  }
0xea: {  	_ = 	snop  }
0xeb: {  	[tilespmem:s20], [sflag:$0x4] =	stream.indirect_vreg.gather [hbm4b:s9+s3], $0x80, v3, vm1, $0xb8;
	[tilespmem:$0x1F900] =	vst v63  }
0xec: {  	v3 =	vld.msk [tilespmem:$0xB0], $0xff;
	_ =	sdelay $0x4  }
0xed: {  	v63 =	vshrl.u32 v3, $0x3  }
0xee: {  	v4 =	vmul.u32 $0x48, v63  }
0xef: {  	v3 =	vand.u32 $0x7, v3  }
0xf0: {  	v3 =	vor.u32 v3, v4  }
0xf1: {  	v3 =	vperm.xlane v3, v0;
	_ =	sdelay $0x1  }
0xf2: {  	v3 =	vadd.s32 v1, v3;
	_ =	sdelay $0x4  }
0xf3: {  	[tilespmem:s21], [sflag:$0x4] =	stream.indirect_vreg.gather [hbm4b:s1+s3], $0x80, v3, vm0, $0xb8;
	[tilespmem:$0x1F900] =	vst v63  }
0xf4: {  	_ = 	snop  }
0xf5: {  	[tilespmem:s22], [sflag:$0x4] =	stream.indirect_vreg.gather [hbm4b:s6+s3], $0x80, v3, vm0, $0xb8;
	[tilespmem:$0x1F900] =	vst v63  }
0xf6: {  	_ = 	snop  }
0xf7: {  	[tilespmem:s23], [sflag:$0x4] =	stream.indirect_vreg.gather [hbm4b:s7+s3], $0x80, v3, vm0, $0xb8;
	[tilespmem:$0x1F900] =	vst v63  }
0xf8: {  	_ = 	snop  }
0xf9: {  	[tilespmem:s25], [sflag:$0x4] =	stream.indirect_vreg.gather [hbm4b:s8+s3], $0x80, v3, vm0, $0xb8;
	[tilespmem:$0x1F900] =	vst v63  }
0xfa: {  	_ = 	snop  }
0xfb: {  	[tilespmem:s26], [sflag:$0x4] =	stream.indirect_vreg.gather [hbm4b:s9+s3], $0x80, v3, vm1, $0xb8;
	[tilespmem:$0x1F900] =	vst v63  }
0xfc: {  	_ =	swait.ge [sflag:s28], $0xFC00  }
0xfd: {  	[sflag:s28] =	ssyncset.done $0x0  }
0xfe: {  	s4 =	sadd.s32 @!p0 $0x30, s4;
	s13 =	simm.s32 @!p0 $0x80;
	[sflag:s28] =	ssyncadd.s32 $0xFFFF0400  }
0xff: {  	[tilespmem:s13], [sflag:$0x2] =	stream.linear.gather @!p0 [hbm4b:s4+s12], $0x80, $0x38;
	[tilespmem:$0x1F900] =	vst v63  }
0x100: {  	s12 =	sadd.s32 $0x1F80, s14  }
0x101: {  	[hbm4b:s12+s3] =	stream.linear.scatter [tilespmem:s0], [sflag:$0x6], $0xD800, $0x38;
	[tilespmem:$0x1F900] =	vst v63  }
0x102: {  	s13 =	sadd.s32 $0x480, s5  }
0x103: {  	[hbm4b:s13+s3] =	stream.linear.scatter [tilespmem:s21], [sflag:$0x8], $0x2400, $0x38;
	[tilespmem:$0x1F900] =	vst v63  }
0x104: {  	_ =	swait.ge [sflag:s29], $0xD800  }
.Ltmp2:
0x105: {  	[sflag:s29] =	ssyncset.done $0x0;
	(pc) =	sbr.rel @p0 .LBB2_4-.Ltmp2, $4  }
0x106: {  	[sflag:s29] =	ssyncadd.s32 $0xFFFF2800  }
0x107: {  	_ =	swait.ge [sflag:s2], $0x2400  }
0x108: {  	[sflag:s2] =	ssyncset.done $0x0  }
0x109: {  	[sflag:s2] =	ssyncadd.s32 $0xFFFFDC00  }
0x10a: {  	_ =	swait.ge [sflag:s15], $0x80  }
0x10b: {  	[sflag:s15] =	ssyncset.done $0x0  }
0x10c: {  	[sflag:s15] =	ssyncadd.s32 $0xFFFFFF80  }
0x10d: {  	v3 =	vld [tilespmem:$0x0];
	_ =	sdelay $0x4  }
0x10e: {  	v4 =	vshrl.u32 v3, $0x3  }
0x10f: {  	v4 =	vmul.u32 $0x48, v4  }
0x110: {  	v3 =	vand.u32 $0x7, v3  }
0x111: {  	v3 =	vor.u32 v3, v4  }
0x112: {  	v4 =	vperm.xlane v3, v0;
	_ =	sdelay $0x1  }
0x113: {  	v4 =	vadd.s32 v1, v4;
	_ =	sdelay $0x4  }
0x114: {  	[tilespmem:s16], [sflag:$0x3] =	stream.indirect_vreg.gather [hbm4b:s1+s3], $0x80, v4, vm0, $0xb8;
	[tilespmem:$0x1F900] =	vst v63  }
0x115: {  	s4 =	simm.s32 $0x900  }
0x116: {  	[tilespmem:s4], [sflag:$0x3] =	stream.indirect_vreg.gather [hbm4b:s6+s3], $0x80, v4, vm0, $0xb8;
	[tilespmem:$0x1F900] =	vst v63  }
0x117: {  	s12 =	simm.s32 $0x1100;
	v3 =	vperm.xlane v3, v2  }
0x118: {  	[tilespmem:s12], [sflag:$0x3] =	stream.indirect_vreg.gather [hbm4b:s7+s3], $0x80, v4, vm0, $0xb8;
	[tilespmem:$0x1F900] =	vst v63  }
0x119: {  	s13 =	simm.s32 $0x1900;
	v3 =	vadd.s32 v1, v3  }
0x11a: {  	[tilespmem:s13], [sflag:$0x3] =	stream.indirect_vreg.gather [hbm4b:s8+s3], $0x80, v4, vm0, $0xb8;
	[tilespmem:$0x1F900] =	vst v63  }
0x11b: {  	s12 =	simm.s32 $0x2100  }
0x11c: {  	[tilespmem:s12], [sflag:$0x3] =	stream.indirect_vreg.gather [hbm4b:s9+s3], $0x80, v4, vm1, $0xb8;
	[tilespmem:$0x1F900] =	vst v63  }
0x11d: {  	s13 =	simm.s32 $0x2500  }
0x11e: {  	[tilespmem:s13], [sflag:$0x3] =	stream.indirect_vreg.gather [hbm4b:s1+s3], $0x80, v3, vm0, $0xb8;
	[tilespmem:$0x1F900] =	vst v63  }
0x11f: {  	s12 =	simm.s32 $0x2D00  }
0x120: {  	[tilespmem:s12], [sflag:$0x3] =	stream.indirect_vreg.gather [hbm4b:s6+s3], $0x80, v3, vm0, $0xb8;
	[tilespmem:$0x1F900] =	vst v63  }
0x121: {  	s13 =	simm.s32 $0x3500  }
0x122: {  	[tilespmem:s13], [sflag:$0x3] =	stream.indirect_vreg.gather [hbm4b:s7+s3], $0x80, v3, vm0, $0xb8;
	[tilespmem:$0x1F900] =	vst v63  }
0x123: {  	s12 =	simm.s32 $0x3D00  }
0x124: {  	[tilespmem:s12], [sflag:$0x3] =	stream.indirect_vreg.gather [hbm4b:s8+s3], $0x80, v3, vm0, $0xb8;
	[tilespmem:$0x1F900] =	vst v63  }
0x125: {  	s13 =	simm.s32 $0x4500  }
0x126: {  	[tilespmem:s13], [sflag:$0x3] =	stream.indirect_vreg.gather [hbm4b:s9+s3], $0x80, v3, vm1, $0xb8;
	[tilespmem:$0x1F900] =	vst v63  }
0x127: {  	v3 =	vld [tilespmem:$0x10];
	_ =	sdelay $0x4  }
0x128: {  	v61 =	vshrl.u32 v3, $0x3  }
0x129: {  	v4 =	vmul.u32 $0x48, v61  }
0x12a: {  	v3 =	vand.u32 $0x7, v3  }
0x12b: {  	v3 =	vor.u32 v3, v4  }
0x12c: {  	v4 =	vperm.xlane v3, v0;
	_ =	sdelay $0x1  }
0x12d: {  	v4 =	vadd.s32 v1, v4;
	_ =	sdelay $0x3  }
0x12e: {  	s12 =	simm.s32 $0x4900  }
0x12f: {  	[tilespmem:s12], [sflag:$0x3] =	stream.indirect_vreg.gather [hbm4b:s1+s3], $0x80, v4, vm0, $0xb8;
	[tilespmem:$0x1F900] =	vst v63  }
0x130: {  	s13 =	simm.s32 $0x5100  }
0x131: {  	[tilespmem:s13], [sflag:$0x3] =	stream.indirect_vreg.gather [hbm4b:s6+s3], $0x80, v4, vm0, $0xb8;
	[tilespmem:$0x1F900] =	vst v63  }
0x132: {  	v3 =	vperm.xlane v3, v2;
	s12 =	simm.s32 $0x5900  }
0x133: {  	[tilespmem:s12], [sflag:$0x3] =	stream.indirect_vreg.gather [hbm4b:s7+s3], $0x80, v4, vm0, $0xb8;
	[tilespmem:$0x1F900] =	vst v63  }
0x134: {  	v3 =	vadd.s32 v1, v3;
	s13 =	simm.s32 $0x6100  }
0x135: {  	[tilespmem:s13], [sflag:$0x3] =	stream.indirect_vreg.gather [hbm4b:s8+s3], $0x80, v4, vm0, $0xb8;
	[tilespmem:$0x1F900] =	vst v63  }
0x136: {  	s12 =	simm.s32 $0x6900  }
0x137: {  	[tilespmem:s12], [sflag:$0x3] =	stream.indirect_vreg.gather [hbm4b:s9+s3], $0x80, v4, vm1, $0xb8;
	[tilespmem:$0x1F900] =	vst v63  }
0x138: {  	s13 =	simm.s32 $0x6D00  }
0x139: {  	[tilespmem:s13], [sflag:$0x3] =	stream.indirect_vreg.gather [hbm4b:s1+s3], $0x80, v3, vm0, $0xb8;
	[tilespmem:$0x1F900] =	vst v63  }
0x13a: {  	s12 =	simm.s32 $0x7500  }
0x13b: {  	[tilespmem:s12], [sflag:$0x3] =	stream.indirect_vreg.gather [hbm4b:s6+s3], $0x80, v3, vm0, $0xb8;
	[tilespmem:$0x1F900] =	vst v63  }
0x13c: {  	s13 =	simm.s32 $0x7D00  }
0x13d: {  	[tilespmem:s13], [sflag:$0x3] =	stream.indirect_vreg.gather [hbm4b:s7+s3], $0x80, v3, vm0, $0xb8;
	[tilespmem:$0x1F900] =	vst v63  }
0x13e: {  	s12 =	simm.s32 $0x8500  }
0x13f: {  	[tilespmem:s12], [sflag:$0x3] =	stream.indirect_vreg.gather [hbm4b:s8+s3], $0x80, v3, vm0, $0xb8;
	[tilespmem:$0x1F900] =	vst v63  }
0x140: {  	s13 =	simm.s32 $0x8D00  }
0x141: {  	[tilespmem:s13], [sflag:$0x3] =	stream.indirect_vreg.gather [hbm4b:s9+s3], $0x80, v3, vm1, $0xb8;
	[tilespmem:$0x1F900] =	vst v63  }
0x142: {  	v3 =	vld [tilespmem:$0x20];
	_ =	sdelay $0x4  }
0x143: {  	v62 =	vshrl.u32 v3, $0x3  }
0x144: {  	v4 =	vmul.u32 $0x48, v62  }
0x145: {  	v3 =	vand.u32 $0x7, v3  }
0x146: {  	v3 =	vor.u32 v3, v4  }
0x147: {  	v4 =	vperm.xlane v3, v0;
	_ =	sdelay $0x1  }
0x148: {  	v4 =	vadd.s32 v1, v4;
	_ =	sdelay $0x3  }
0x149: {  	s12 =	simm.s32 $0x9100  }
0x14a: {  	[tilespmem:s12], [sflag:$0x3] =	stream.indirect_vreg.gather [hbm4b:s1+s3], $0x80, v4, vm0, $0xb8;
	[tilespmem:$0x1F900] =	vst v63  }
0x14b: {  	s13 =	simm.s32 $0x9900  }
0x14c: {  	[tilespmem:s13], [sflag:$0x3] =	stream.indirect_vreg.gather [hbm4b:s6+s3], $0x80, v4, vm0, $0xb8;
	[tilespmem:$0x1F900] =	vst v63  }
0x14d: {  	v3 =	vperm.xlane v3, v2;
	s12 =	simm.s32 $0xA100  }
0x14e: {  	[tilespmem:s12], [sflag:$0x3] =	stream.indirect_vreg.gather [hbm4b:s7+s3], $0x80, v4, vm0, $0xb8;
	[tilespmem:$0x1F900] =	vst v63  }
0x14f: {  	v3 =	vadd.s32 v1, v3;
	s13 =	simm.s32 $0xA900  }
0x150: {  	[tilespmem:s13], [sflag:$0x3] =	stream.indirect_vreg.gather [hbm4b:s8+s3], $0x80, v4, vm0, $0xb8;
	[tilespmem:$0x1F900] =	vst v63  }
0x151: {  	s12 =	simm.s32 $0xB100  }
0x152: {  	[tilespmem:s12], [sflag:$0x3] =	stream.indirect_vreg.gather [hbm4b:s9+s3], $0x80, v4, vm1, $0xb8;
	[tilespmem:$0x1F900] =	vst v63  }
0x153: {  	s13 =	simm.s32 $0xB500  }
0x154: {  	[tilespmem:s13], [sflag:$0x3] =	stream.indirect_vreg.gather [hbm4b:s1+s3], $0x80, v3, vm0, $0xb8;
	[tilespmem:$0x1F900] =	vst v63  }
0x155: {  	s12 =	simm.s32 $0xBD00  }
0x156: {  	[tilespmem:s12], [sflag:$0x3] =	stream.indirect_vreg.gather [hbm4b:s6+s3], $0x80, v3, vm0, $0xb8;
	[tilespmem:$0x1F900] =	vst v63  }
0x157: {  	s13 =	simm.s32 $0xC500  }
0x158: {  	[tilespmem:s13], [sflag:$0x3] =	stream.indirect_vreg.gather [hbm4b:s7+s3], $0x80, v3, vm0, $0xb8;
	[tilespmem:$0x1F900] =	vst v63  }
0x159: {  	s12 =	simm.s32 $0xCD00  }
0x15a: {  	[tilespmem:s12], [sflag:$0x3] =	stream.indirect_vreg.gather [hbm4b:s8+s3], $0x80, v3, vm0, $0xb8;
	[tilespmem:$0x1F900] =	vst v63  }
0x15b: {  	s13 =	simm.s32 $0xD500  }
0x15c: {  	[tilespmem:s13], [sflag:$0x3] =	stream.indirect_vreg.gather [hbm4b:s9+s3], $0x80, v3, vm1, $0xb8;
	[tilespmem:$0x1F900] =	vst v63  }
0x15d: {  	v3 =	vld.msk [tilespmem:$0x30], $0xff;
	_ =	sdelay $0x4  }
0x15e: {  	v63 =	vshrl.u32 v3, $0x3  }
0x15f: {  	v4 =	vmul.u32 $0x48, v63  }
0x160: {  	v3 =	vand.u32 $0x7, v3  }
0x161: {  	v3 =	vor.u32 v3, v4  }
0x162: {  	v3 =	vperm.xlane v3, v0;
	_ =	sdelay $0x1  }
0x163: {  	v3 =	vadd.s32 v1, v3;
	_ =	sdelay $0x4  }
0x164: {  	[tilespmem:s24], [sflag:$0x3] =	stream.indirect_vreg.gather [hbm4b:s1+s3], $0x80, v3, vm0, $0xb8;
	[tilespmem:$0x1F900] =	vst v63  }
0x165: {  	s12 =	simm.s32 $0xE100  }
0x166: {  	[tilespmem:s12], [sflag:$0x3] =	stream.indirect_vreg.gather [hbm4b:s6+s3], $0x80, v3, vm0, $0xb8;
	[tilespmem:$0x1F900] =	vst v63  }
0x167: {  	s13 =	simm.s32 $0xE900  }
0x168: {  	[tilespmem:s13], [sflag:$0x3] =	stream.indirect_vreg.gather [hbm4b:s7+s3], $0x80, v3, vm0, $0xb8;
	[tilespmem:$0x1F900] =	vst v63  }
.Ltmp3:
0x169: {  	_ = 	snop;
	(pc) =	sbr.rel .LBB2_2-.Ltmp3, $4  }
0x16a: {  	s10 =	sadd.s32 $0x20, s10;
	s12 =	simm.s32 $0xF100  }
0x16b: {  	[tilespmem:s12], [sflag:$0x3] =	stream.indirect_vreg.gather [hbm4b:s8+s3], $0x80, v3, vm0, $0xb8;
	[tilespmem:$0x1F900] =	vst v63  }
0x16c: {  	s5 =	sadd.s32 $0x900, s5;
	s14 =	sadd.s32 $0x3F00, s14;
	s13 =	simm.s32 $0xF900  }
0x16d: {  	[tilespmem:s13], [sflag:$0x3] =	stream.indirect_vreg.gather [hbm4b:s9+s3], $0x80, v3, vm1, $0xb8;
	[tilespmem:$0x1F900] =	vst v63  }
.LBB2_5:
0x16e: {  	_ =	sfence.sel $0x180000  }
0x16f: {  	[bflag:$0x0] =	sbarrier.arrive $0xFFFF  }
0x170: {  	_ =	strace $0x90000047  }
0x171: {  	s0 =	stileid.u32;
	[bflag:$0x2] =	sbarrier.arrive $0xFFFF  }
0x172: {  	p0 =	sne.s32 s0, $0x0;
	s0 =	rddreg [dreg:$0x3]  }
0x173: {  	s0 =	sadd.s32 @!p0 $0x100000, s0  }
0x174: {  	[sflag:s0] =	ssyncadd.tile.s32 @!p0 $0x1;
	_ =	shalt  }
.Lfunc_end2:
_tile_overlayer_lowered:
.L_overlay_start_2:
0x175: {  	(tag) =	ssettag $0x2  }
0x176: {  	s0 =	rddreg [dreg:$0x0];
	s2 =	stileid.u32  }
0x177: {  	s1 =	rddreg [dreg:$0x1];
	p0 =	sne.s32 s2, $0x0  }
0x178: {  	s3 =	rddreg [dreg:$0x2];
	[bflag:$0x3] =	sbarrier.arrive $0xFFFF;
	s2 =	simm.s32 @!p0 $0x1C09  }
0x179: {  	[timem:s3], [sflag:s2] =	dma.local @!p0 [hbm:s0], s1  }
0x17a: {  	s0 =	simm.s32 @!p0 $0x9  }
0x17b: {  	_ =	swait.ge @!p0 [sflag:s0], s1  }
0x17c: {  	s1 =	ssub.s32 @!p0 $0x0, s1;
	[sflag:s0] =	ssyncset.done @!p0 $0x0  }
0x17d: {  	[sflag:s0] =	ssyncadd.s32 @!p0 s1  }
0x17e: {  	[bflag:$0x3] =	sbarrier.arrive $0xFFFF  }
0x17f: {  	_ =	shalt  }

// kernel: sparse-core-data-format-call.cloned.1.call-start
scs
called_computation_lowered:
.L_overlay_start_0:
0x0: {  	s2 =	sld [smem:$0x3FD9]  }
0x1: {  	s3 =	sld [smem:$0x3FFE];
	_ =	sdelay $0x1  }
0x2: {  	s1 =	srdreg.scid  }
0x3: {  	s0 =	sand.u32 $0x1, s1  }
0x4: {  	s18 =	sshll.u32 s0, $0xA;
	s2 =	sadd.s32 s3, s2  }
0x5: {  	s2 =	sadd.s32 s2, s18  }
0x6: {  	[smem:$0x3FC6] =	sst s2  }
0x7: {  	_ = 	snop  }
0x8: {  	s2 =	sld [smem:$0x3FD0];
	(tm) =	ssettm $0x1  }
0x9: {  	s19 =	sld [smem:$0x3FFB];
	_ =	sdelay $0x3  }
0xa: {  	_ =	strace s19  }
0xb: {  	s3 =	sld [smem:$0x3FFC];
	_ =	sdelay $0x3  }
0xc: {  	_ =	strace s3  }
0xd: {  	s3 =	sld [smem:$0x3FFD];
	_ =	sdelay $0x3  }
0xe: {  	_ =	strace s3  }
0xf: {  	_ =	strace $0x8FFFFFFF  }
0x10: {  	s20 =	sld [smem:$0x3FDB];
	_ =	sdelay $0x1  }
0x11: {  	s4 =	simm.s32 $_scs_section_size  }
0x12: {  	s5 =	simm.s32 $_size__tile_overlayer_lowered;
	s6 =	simm.s32 $_tile_overlayer_lowered  }
0x13: {  	s23 =	simm.s32 $0x1BFF;
	s22 =	sshll.u32 s6, $0x1;
	s3 =	sadd.s32 s4, s20  }
0x14: {  	s7 =	simm.s32 $0x0;
	s21 =	sshll.u32 s5, $0x1;
	s5 =	sadd.s32 s22, s3  }
0x15: {  	[timem:s7], [sflag:s23] =	dma.local [hbm:s5], s21  }
0x16: {  	_ =	swait.ge [sflag:s23], s21  }
0x17: {  	s4 =	ssub.s32 $0x0, s21;
	[sflag:s23] =	ssyncset.done $0x0  }
0x18: {  	[sflag:s23] =	ssyncadd.s32 s4;
	_ =	sdelay $0x1  }
0x19: {  	s24 =	simm.s32 $0x1B8B  }
0x1a: {  	_ =	swait.ge [sflag:s24], $0x1  }
0x1b: {  	[sflag:s24] =	ssyncset.done $0x0  }
0x1c: {  	s26 =	simm.s32 $0x1B8E;
	s25 =	sld [smem:$0x3FFE];
	[sflag:s24] =	ssyncadd.s32 $0xFFFFFFFF  }
0x1d: {  	s27 =	simm.s32 $execute0_lowered;
	[smem:$0x3FD2] =	sst s26  }
0x1e: {  	s5 =	sshll.u32 s27, $0x1;
	_ =	strace $0x80000049;
	[dreg:$0x1] =	wrdreg $0xFFFFFFFF  }
0x1f: {  	s28 =	simm.s32 $_size_execute0_lowered;
	s3 =	sadd.s32 s3, s5;
	[dreg:$0x0] =	wrdreg $0x0  }
0x20: {  	s5 =	sshll.u32 s28, $0x1;
	[dreg:$0x2] =	wrdreg s3  }
0x21: {  	[dreg:$0x3] =	wrdreg s5  }
0x22: {  	[dreg:$0x4] =	wrdreg $0xC0  }
0x23: {  	_ =	task [dreg:s7], $0x5FFFF  }
0x24: {  	[dreg:$0x1] =	wrdreg $0xFFFFFFFF  }
0x25: {  	[dreg:$0x0] =	wrdreg $0x60  }
0x26: {  	[dreg:$0x2] =	wrdreg s25  }
0x27: {  	[dreg:$0x3] =	wrdreg s2  }
0x28: {  	[dreg:$0x4] =	wrdreg $0x9  }
0x29: {  	_ =	task.clear_ibuf [dreg:s7], $0x5FFFF;
	_ =	strace $0x90000049  }
0x2a: {  	s29 =	simm.s32 $0x9;
	_ =	strace $0x8000004B  }
0x2b: {  	_ =	swait.ge [sflag:s29], $0x1  }
0x2c: {  	[sflag:s29] =	ssyncadd.s32 $0xFFFFFFFF  }
0x2d: {  	_ =	strace $0x9000004B  }
0x2e: {  	_ =	sfence  }
0x2f: {  	s30 =	sld [smem:$0x0];
	_ =	sdelay $0x2  }
0x30: {  	s31 =	sshll.u32 s1, $0xD;
	s1 =	sshrl.u32 s1, $0x2  }
0x31: {  	s3 =	sand.u32 $0x4000, s31;
	s1 =	sadd.s32 s1, s30  }
0x32: {  	s0 =	sor.u32 s3, s0;
	s1 =	sshll.u32 s1, $0x11  }
0x33: {  	s0 =	sor.u32 s1, s0  }
0x34: {  	s0 =	sadd.s32 $0x8F2B, s0  }
0x35: {  	[sflag:s0] =	ssyncadd.remote.s32 $0x1  }
0x36: {  	_ =	sfence.sel $0xFFFF  }
0x37: {  	[dreg:$0x0] =	wrdreg $0xFFFFFFFF;
	(pc) =	sbr.abs _section_cstart, $3  }
0x38: {  	[dreg:$0x1] =	wrdreg $0xFFFFFFFF  }
0x39: {  	_ =	task.clear_ibuf [dreg:s7], $0x2FFFF;
	_ =	strace $0x9FFFFFFF  }
0x3a: {  	(tm) =	ssettm $0x7FFFFFFF  }
0x3b: {  	_ =	shalt  }
tec
execute0_lowered:
.L_overlay_start_1:
0x0: {  	(tag) =	ssettag $0x1  }
0x1: {  	s0 =	srdreg.scid  }
0x2: {  	s1 =	sshll.u32 s0, $0x4  }
0x3: {  	s6 =	rddreg [dreg:$0x0];
	s0 =	stileid.u32;
	s1 =	sand.u32 $0x10, s1  }
0x4: {  	s3 =	rddreg [dreg:$0x1];
	s1 =	sor.u32 s0, s1  }
0x5: {  	s5 =	simm.s32 $0x1;
	s31 =	simm.s32 $0x2;
	s2 =	sshll.u32 s1, $0x7  }
0x6: {  	s15 =	simm.s32 $0x0;
	s8 =	simm.s32 $0x2400;
	s4 =	ssub.s32 $0x1000, s2  }
0x7: {  	s9 =	simm.s32 $0x0;
	s14 =	simm.s32 $0x0;
	s30 =	sand.u32 $0xF80, s4  }
0x8: {  	s16 =	simm.s32 $0x0;
	s10 =	simm.s32 $0x0;
	p0 =	sne.s32 s30, $0x0  }
.Ltmp0:
0x9: {  	s7 =	sshrl.u32 s4, $0xC;
	s5 =	simm.s32 @!p0 $0x0;
	(pc) =	sbr.rel .LBB1_1-.Ltmp0, $4  }
0xa: {  	s11 =	simm.s32 $0x0;
	s1 =	rddreg [dreg:$0x2];
	s5 =	sadd.s32 s5, s7  }
0xb: {  	_ =	strace $0x8000004A;
	s4 =	simm.s32 $0x1;
	s5 =	smul.u32 $0x1C2, s5  }
0xc: {  	s13 =	simm.s32 $0x0;
	s6 =	sadd.s32 $0x10C00, s6;
	[sflag:s4] =	ssyncpa.u1 $0x0  }
0xd: {  	s12 =	smov.u32 s2;
	[sflag:s31] =	ssyncpa.u1 $0x0;
	s7 =	sor.u32 $0x1, s5  }
.LBB1_4:
0xe: {  	_ =	sdelay $0x2  }
0xf: {  	s20 =	sshrl.u32 s16, $0x3  }
0x10: {  	[tilespmem:v0+s19+$0xFFFFFFD0 ss:$0x1] =	vst.idx.msk $0xffff, v7;
	s21 =	sshll.u32 s15, $0x3;
	s20 =	smul.u32 $0x2400, s20  }
0x11: {  	v56 =	vld.idx.msk [tilespmem:v1+s18+$0x0 ss:$0x1], $0xffff;
	[tilespmem:v0+s19+$0xFFFFFFE0 ss:$0x1] =	vst.idx.msk $0xffff, v5;
	s27 =	sshll.u32 s16, $0x7;
	s21 =	sand.u32 $0xFFFFFC00, s21  }
0x12: {  	v57 =	vld.idx.msk [tilespmem:v1+s18+$0xFFFFFF90 ss:$0x1], $0xffff;
	[tilespmem:v0+s19+$0xFFFFFFF0 ss:$0x1] =	vst.idx.msk $0xffff, v4;
	s16 =	sand.u32 $0x380, s27;
	s20 =	sadd.s32 s20, s21  }
0x13: {  	v58 =	vld.idx.msk [tilespmem:v1+s18+$0xFFFFFFA0 ss:$0x1], $0xffff;
	[tilespmem:v0+s19+$0x0 ss:$0x1] =	vst.idx.msk $0xffff, v2;
	s28 =	sand.u32 $0x7F, s15;
	s16 =	sor.u32 s16, s20  }
0x14: {  	v59 =	vld.idx.msk [tilespmem:v1+s18+$0xFFFFFFB0 ss:$0x1], $0xffff;
	[tilespmem:v0+s19+$0x10 ss:$0x1] =	vst.idx.msk $0xffff, v3;
	s15 =	sor.u32 s28, s16  }
0x15: {  	v60 =	vld.idx.msk [tilespmem:v1+s18+$0xFFFFFFC0 ss:$0x1], $0xffff;
	[tilespmem:v0+s19+$0x20 ss:$0x1] =	vst.idx.msk $0xffff, v6;
	s29 =	smulhi.u32 $0x38E38E39, s15  }
0x16: {  	v61 =	vld.idx.msk [tilespmem:v1+s18+$0xFFFFFFD0 ss:$0x1], $0xffff;
	[tilespmem:v0+s18+$0x30 ss:$0x1] =	vst.idx.msk $0xffff, v56;
	s16 =	smulhi.u32 $0x38E38E39, s16  }
0x17: {  	v62 =	vld.idx.msk [tilespmem:v1+s18+$0xFFFFFFE0 ss:$0x1], $0xffff;
	[tilespmem:v0+s18+$0xFFFFFFC0 ss:$0x1] =	vst.idx.msk $0xffff, v57;
	s19 =	sshrl.u32 s29, $0x8  }
0x18: {  	v63 =	vld.idx.msk [tilespmem:v1+s18+$0xFFFFFFF0 ss:$0x1], $0xffff;
	[tilespmem:v0+s18+$0xFFFFFFD0 ss:$0x1] =	vst.idx.msk $0xffff, v58;
	s16 =	sshrl.u32 s16, $0x8;
	s19 =	smul.u32 $0x480, s19  }
0x19: {  	s14 =	smul.u32 $0x90000, s14;
	[tilespmem:v0+s18+$0xFFFFFFE0 ss:$0x1] =	vst.idx.msk $0xffff, v59;
	s16 =	sand.u32 $0xFFF, s16  }
0x1a: {  	[tilespmem:v0+s18+$0xFFFFFFF0 ss:$0x1] =	vst.idx.msk $0xffff, v60;
	s16 =	smul.u32 $0x90, s16;
	s15 =	ssub.s32 s15, s19  }
0x1b: {  	s14 =	sadd.s32 s3, s14;
	[tilespmem:v0+s18+$0x0 ss:$0x1] =	vst.idx.msk $0xffff, v61;
	s19 =	sand.u32 $0x7, s15  }
0x1c: {  	[tilespmem:v0+s18+$0x10 ss:$0x1] =	vst.idx.msk $0xffff, v62;
	s14 =	sadd.s32 s16, s14;
	s15 =	sshrl.u32 s15, $0x3;
	s30 =	sshll.u32 s19, $0x12  }
0x1d: {  	[tilespmem:v0+s18+$0x20 ss:$0x1] =	vst.idx.msk $0xffff, v63;
	s14 =	sadd.s32 s15, s14;
	s31 =	sor.u32 $0x400, s30  }
0x1e: {  	[hbm4b:s14+s31] =	stream.strided.scatter [tilespmem:s17], [sflag:$0x2], $0x4000, s8, s31, $0x38;
	[tilespmem:$0x10000] =	vst v63  }
.LBB1_5:
0x1f: {  	s17 =	sadd.s32 $0x80, s10  }
0x20: {  	s14 =	simm.s32 $0x1;
	p1 =	sgt.s32 s17, $0x47F  }
0x21: {  	s14 =	simm.s32 @!p1 $0x0  }
0x22: {  	s18 =	sadd.s32 s14, s11  }
0x23: {  	s20 =	smov.u32 s12;
	s14 =	sadd.s32 $0x1000, s12;
	p2 =	sgt.s32 s18, $0x31  }
0x24: {  	s20 =	smov.u32 @p2 s14  }
0x25: {  	s17 =	simm.s32 @p1 $0x0;
	p1 =	sgt.s32 s20, $0xFFF  }
0x26: {  	p0 =	slt.u32 s13, $0x2;
	s20 =	smov.u32 @p1 s2;
	p1 =	sne.s32 s13, s7  }
.Ltmp1:
0x27: {  	s19 =	simm.s32 @!p0 $0x2;
	(pc) =	sbr.rel @!p1 .LBB1_6-.Ltmp1, $4  }
0x28: {  	s15 =	smov.u32 s10;
	s16 =	smov.u32 s12;
	_ =	swait.ge @!p0 [sflag:s19], $0x4000  }
0x29: {  	s9 =	sadd.s32 $0x4000, s9;
	[sflag:s19] =	ssyncset.done @!p0 $0x0;
	s10 =	smov.u32 s17  }
0x2a: {  	[sflag:s19] =	ssyncadd.s32 @!p0 $0xFFFFC000;
	s18 =	simm.s32 @p2 $0x0;
	s14 =	smov.u32 s11  }
0x2b: {  	s11 =	smov.u32 s18;
	s13 =	sadd.s32 $0x1, s13;
	s12 =	smov.u32 s20  }
.LBB1_1:
0x2c: {  	p0 =	sge.u32 s13, s5  }
0x2d: {  	s17 =	sshrl.u32 @!p0 s11, $0x3  }
0x2e: {  	s18 =	sshll.u32 @!p0 s10, $0x3;
	s17 =	smul.u32 @!p0 $0x2400, s17  }
0x2f: {  	s19 =	sshll.u32 @!p0 s11, $0x7;
	s18 =	sand.u32 @!p0 $0xFFFFFC00, s18  }
0x30: {  	s17 =	sadd.s32 @!p0 s17, s18;
	s18 =	sand.u32 @!p0 $0x380, s19  }
0x31: {  	s17 =	sor.u32 @!p0 s18, s17  }
0x32: {  	s18 =	sand.u32 @!p0 $0x7F, s10;
	s19 =	smulhi.u32 @!p0 $0x38E38E39, s17  }
0x33: {  	s17 =	sor.u32 @!p0 s18, s17  }
0x34: {  	s18 =	smulhi.u32 @!p0 $0x38E38E39, s17;
	s19 =	sshrl.u32 @!p0 s19, $0x8  }
0x35: {  	s20 =	smulhi.u32 @!p0 $0x4924925, s19;
	_ =	sdelay $0x1  }
0x36: {  	s18 =	sshrl.u32 @!p0 s18, $0x8;
	s20 =	smul.u32 @!p0 $0x38, s20  }
0x37: {  	s31 =	sadd.s32 $0xFFFFFFFF, s13;
	s18 =	smul.u32 @!p0 $0x480, s18  }
0x38: {  	s21 =	sxor.u32 @!p0 $0xFFFFFFFF, s13;
	s19 =	ssub.s32 @!p0 s19, s20;
	s20 =	smul.u32 @!p0 $0x1F80, s12  }
0x39: {  	s21 =	sshll.u32 @!p0 s21, $0xE;
	s17 =	ssub.s32 @!p0 s17, s18;
	s18 =	smul.u32 @!p0 $0x90, s19  }
0x3a: {  	s19 =	sand.u32 @!p0 $0x4000, s21;
	s21 =	sand.u32 @!p0 $0x7, s17;
	s20 =	sadd.s32 @!p0 s6, s20  }
0x3b: {  	s17 =	sshrl.u32 @!p0 s17, $0x3;
	s18 =	sadd.s32 @!p0 s18, s20;
	s20 =	sshll.u32 @!p0 s21, $0x12  }
0x3c: {  	s17 =	sadd.s32 @!p0 s17, s18;
	s18 =	sor.u32 @!p0 $0x80, s20;
	s20 =	simm.s32 @!p0 $0xFC00  }
0x3d: {  	[tilespmem:s19], [sflag:$0x1] =	stream.strided.gather @!p0 [hbm4b:s17+s18], $0x4000, s20, s18, $0x38;
	[tilespmem:$0x10000] =	vst v63  }
0x3e: {  	p0 =	sge.u32 s31, s5  }
.Ltmp2:
0x3f: {  	_ = 	snop;
	(pc) =	sbr.rel @p0 .LBB1_5-.Ltmp2, $1  }
0x40: {  	_ =	sdelay $0x3  }
0x41: {  	s17 =	sand.u32 $0x4000, s9  }
0x42: {  	s18 =	sor.u32 $0x70, s17  }
0x43: {  	v1 =	vmov s18;
	_ =	sdelay $0x1  }
0x44: {  	_ =	swait.ge [sflag:s4], $0x4000  }
0x45: {  	[sflag:s4] =	ssyncset.done $0x0  }
0x46: {  	s19 =	simm.s32 $0x0;
	[sflag:s4] =	ssyncadd.s32 $0xFFFFC000  }
0x47: {  	s17 =	sor.u32 $0x8040, s17;
	v6 =	vld.idx.msk [tilespmem:v1+s19+$0x0 ss:$0x1], $0xffff  }
0x48: {  	v0 =	vmov s17;
	v8 =	vld.idx.msk [tilespmem:v1+s19+$0xFFFFFF90 ss:$0x1], $0xffff  }
0x49: {  	v7 =	vld.idx.msk [tilespmem:v1+s19+$0xFFFFFFA0 ss:$0x1], $0xffff  }
0x4a: {  	v5 =	vld.idx.msk [tilespmem:v1+s19+$0xFFFFFFB0 ss:$0x1], $0xffff  }
0x4b: {  	v4 =	vld.idx.msk [tilespmem:v1+s19+$0xFFFFFFC0 ss:$0x1], $0xffff  }
0x4c: {  	s31 =	sshll.u32 s13, $0xE;
	v2 =	vld.idx.msk [tilespmem:v1+s19+$0xFFFFFFD0 ss:$0x1], $0xffff  }
0x4d: {  	s17 =	sand.u32 $0x4000, s31;
	v3 =	vld.idx.msk [tilespmem:v1+s19+$0xFFFFFFE0 ss:$0x1], $0xffff;
	[tilespmem:v0+s19+$0x30 ss:$0x1] =	vst.idx.msk $0xffff, v6  }
0x4e: {  	s20 =	simm.s32 $0x400;
	s18 =	simm.s32 $0x80;
	s17 =	sor.u32 $0x8000, s17;
	[tilespmem:v0+s19+$0xFFFFFFC0 ss:$0x1] =	vst.idx.msk $0xffff, v8;
	v6 =	vld.idx.msk [tilespmem:v1+s19+$0xFFFFFFF0 ss:$0x1], $0xffff  }
.LBB1_3:
0x4f: {  	p0 =	sne.s32 s20, $0xFE00;
	v8 =	vld.idx.msk [tilespmem:v1+s18+$0x0 ss:$0x1], $0xffff;
	[tilespmem:v0+s19+$0xFFFFFFD0 ss:$0x1] =	vst.idx.msk $0xffff, v7  }
0x50: {  	v9 =	vld.idx.msk [tilespmem:v1+s18+$0xFFFFFF90 ss:$0x1], $0xffff;
	[tilespmem:v0+s19+$0xFFFFFFE0 ss:$0x1] =	vst.idx.msk $0xffff, v5  }
0x51: {  	v7 =	vld.idx.msk [tilespmem:v1+s18+$0xFFFFFFA0 ss:$0x1], $0xffff;
	[tilespmem:v0+s19+$0xFFFFFFF0 ss:$0x1] =	vst.idx.msk $0xffff, v4  }
.Ltmp3:
0x52: {  	v5 =	vld.idx.msk [tilespmem:v1+s18+$0xFFFFFFB0 ss:$0x1], $0xffff;
	[tilespmem:v0+s19+$0x0 ss:$0x1] =	vst.idx.msk $0xffff, v2;
	(pc) =	sbr.rel @p0 .LBB1_3-.Ltmp3, $4  }
0x53: {  	v4 =	vld.idx.msk [tilespmem:v1+s18+$0xFFFFFFC0 ss:$0x1], $0xffff;
	[tilespmem:v0+s19+$0x10 ss:$0x1] =	vst.idx.msk $0xffff, v3  }
0x54: {  	v2 =	vld.idx.msk [tilespmem:v1+s18+$0xFFFFFFD0 ss:$0x1], $0xffff;
	[tilespmem:v0+s19+$0x20 ss:$0x1] =	vst.idx.msk $0xffff, v6;
	s19 =	smov.u32 s18  }
0x55: {  	v3 =	vld.idx.msk [tilespmem:v1+s19+$0xFFFFFFE0 ss:$0x1], $0xffff;
	[tilespmem:v0+s19+$0x30 ss:$0x1] =	vst.idx.msk $0xffff, v8  }
0x56: {  	s18 =	sshra.s32 s20, $0x2;
	s20 =	sadd.s32 $0x200, s20;
	[tilespmem:v0+s19+$0xFFFFFFC0 ss:$0x1] =	vst.idx.msk $0xffff, v9;
	v6 =	vld.idx.msk [tilespmem:v1+s19+$0xFFFFFFF0 ss:$0x1], $0xffff  }
.Ltmp4:
0x57: {  	_ = 	snop;
	(pc) =	sbr.rel .LBB1_4-.Ltmp4, $1  }
0x58: {  	_ =	sdelay $0x3  }
.LBB1_6:
0x59: {  	_ =	sfence.sel $0x180000  }
0x5a: {  	s2 =	simm.s32 $0x1;
	[bflag:$0x0] =	sbarrier.arrive $0xFFFF  }
0x5b: {  	s31 =	simm.s32 $0x2;
	[sflag:s2] =	ssyncpa.u1 $0x1  }
0x5c: {  	[sflag:s31] =	ssyncpa.u1 $0x1  }
0x5d: {  	p0 =	sne.s32 s0, $0x0;
	_ =	strace $0x9000004A  }
0x5e: {  	s0 =	sadd.s32 @!p0 $0x100000, s1;
	[bflag:$0x2] =	sbarrier.arrive $0xFFFF  }
0x5f: {  	[sflag:s0] =	ssyncadd.tile.s32 @!p0 $0x1;
	_ =	shalt  }
.Lfunc_end1:
_tile_overlayer_lowered:
.L_overlay_start_2:
0x60: {  	(tag) =	ssettag $0x2  }
0x61: {  	s0 =	rddreg [dreg:$0x0];
	s2 =	stileid.u32  }
0x62: {  	s1 =	rddreg [dreg:$0x1];
	p0 =	sne.s32 s2, $0x0  }
0x63: {  	s3 =	rddreg [dreg:$0x2];
	[bflag:$0x3] =	sbarrier.arrive $0xFFFF;
	s2 =	simm.s32 @!p0 $0x1C01  }
0x64: {  	[timem:s3], [sflag:s2] =	dma.local @!p0 [hbm:s0], s1  }
0x65: {  	s0 =	simm.s32 @!p0 $0x1  }
0x66: {  	_ =	swait.ge @!p0 [sflag:s0], s1  }
0x67: {  	s1 =	ssub.s32 @!p0 $0x0, s1;
	[sflag:s0] =	ssyncset.done @!p0 $0x0  }
0x68: {  	[sflag:s0] =	ssyncadd.s32 @!p0 s1  }
0x69: {  	[bflag:$0x3] =	sbarrier.arrive $0xFFFF  }
0x6a: {  	_ =	shalt  }

</sc_bundles>
